<compile_context>
chip_gen: v7x
topology: tpu7x:2x2x1
jax: 0.10.2.dev20260603
libtpu: 0.0.44.dev20260713+nightly
codegen_flags: <defaults>
</compile_context>

<pallas_src>
import functools

import jax
import jax.numpy as jnp
from jax import lax
from jax.experimental import pallas as pl
from jax.experimental.pallas import tpu as pltpu
from jax.experimental.pallas import tpu_sc as plsc

_NUM_CORES = 2
_NUM_SUBCORES = 16
_NW = _NUM_CORES * _NUM_SUBCORES
_SUBLANES = 8
_G = 16


def _sc_gather(table3, q2, s2, batch, dim):
    b_per_w = batch // _NW
    n_groups = b_per_w // _G

    mesh = plsc.VectorSubcoreMesh(core_axis_name="c", subcore_axis_name="s")

    @functools.partial(
        pl.kernel,
        out_type=jax.ShapeDtypeStruct((batch, dim), jnp.float32),
        mesh=mesh,
        scratch_types=[
            pltpu.VMEM((b_per_w,), jnp.int32),
            pltpu.VMEM((b_per_w,), jnp.int32),
            pltpu.VMEM((b_per_w, dim), jnp.float32),
            pltpu.SemaphoreType.DMA,
        ],
    )
    def gather_kernel(table_hbm, q_hbm, s_hbm, out_hbm, q_v, s_v, rows_v, sem):
        wid = lax.axis_index("s") * _NUM_CORES + lax.axis_index("c")
        base = wid * b_per_w
        pltpu.sync_copy(q_hbm.at[wid], q_v)
        pltpu.sync_copy(s_hbm.at[wid], s_v)

        def body(g, _):
            qv = q_v[pl.ds(g * _G, _G)]
            sv = s_v[pl.ds(g * _G, _G)]
            for l in range(_G):
                pltpu.async_copy(
                    table_hbm.at[qv[l], sv[l]],
                    rows_v.at[g * _G + l],
                    sem,
                )
            return _

        lax.fori_loop(0, n_groups, body, None)
        pltpu.make_async_copy(out_hbm.at[pl.ds(base, b_per_w)], rows_v, sem).wait()
        pltpu.sync_copy(rows_v, out_hbm.at[pl.ds(base, b_per_w)])

    return gather_kernel(table3, q2, s2)


def _tc_film(xT, enc, W, b2d, blk):
    dim, batch = xT.shape

    def film_kernel(enc_ref, xT_ref, w_ref, b_ref, outT_ref):
        gb = (
            jnp.dot(
                enc_ref[...],
                w_ref[...],
                preferred_element_type=jnp.float32,
                precision=lax.Precision.HIGHEST,
            )
            + b_ref[...]
        )
        gbT = gb.T
        outT_ref[...] = xT_ref[...] * (1.0 + gbT[:dim, :]) + gbT[dim:, :]

    return pl.pallas_call(
        film_kernel,
        grid=(batch // blk,),
        in_specs=[
            pl.BlockSpec((blk, dim), lambda i: (i, 0)),
            pl.BlockSpec((dim, blk), lambda i: (0, i)),
            pl.BlockSpec(W.shape, lambda i: (0, 0)),
            pl.BlockSpec(b2d.shape, lambda i: (0, 0)),
        ],
        out_specs=pl.BlockSpec((dim, blk), lambda i: (0, i)),
        out_shape=jax.ShapeDtypeStruct((dim, batch), jnp.float32),
    )(enc, xT, W, b2d)


@jax.jit
def kernel(x, label, emb_table, W, b):
    batch, dim = x.shape
    rows = emb_table.shape[0]
    idx = label.astype(jnp.int32)
    q2 = (idx // _SUBLANES).reshape(_NW, batch // _NW)
    s2 = (idx % _SUBLANES).reshape(_NW, batch // _NW)
    table3 = emb_table.reshape(rows // _SUBLANES, _SUBLANES, dim)
    enc = _sc_gather(table3, q2, s2, batch, dim)
    outT = _tc_film(x.T, enc, W, b.reshape(1, -1), blk=4096)
    return outT.T

# --- scband reference (transcript-rebuilt; emitter-appended) ---
"""Pipeline reference for scband-label-adaptor-54906861912470 (READ-ONLY COPY).

The authoritative reference and input builder live on the scoring server;
editing this copy changes nothing except your own understanding.
"""

import jax, jax.numpy as jnp
import numpy as np

NUM_EMB = 1000000
EMB_DIM = 64
DIM = 64
BATCH = 16384


def setup_inputs(seed: int = 0) -> dict:
    key = jax.random.key(seed)
    k_x, k_label, k_emb, k_w, k_b = jax.random.split(key, 5)
    x = jax.random.normal(k_x, (BATCH, DIM), dtype=jnp.float32)
    label = jax.random.randint(k_label, (BATCH,), 0, NUM_EMB, dtype=jnp.int64 if jax.config.jax_enable_x64 else jnp.int32)
    emb_table = jax.random.normal(k_emb, (NUM_EMB, EMB_DIM), dtype=jnp.float32)
    # FiLM adaptor: project label embedding -> (gamma, beta) over DIM channels
    W = jax.random.normal(k_w, (EMB_DIM, 2 * DIM), dtype=jnp.float32) * (1.0 / np.sqrt(EMB_DIM))
    b = jnp.zeros((2 * DIM,), dtype=jnp.float32)
    return {"x": x, "label": label, "emb_table": emb_table, "W": W, "b": b}


def reference(x, label, emb_table, W, b):
    # label_enc = self.label_encoder(label)  -- embedding gather (SparseCore)
    label_enc = jnp.take(emb_table, label, axis=0)  # [B, EMB_DIM]
    # adaptor: FiLM conditioning of x on label_enc
    gb = label_enc @ W + b  # [B, 2*DIM]
    gamma = gb[:, :DIM]
    beta = gb[:, DIM:]
    out = x * (1.0 + gamma) + beta
    return out

if __name__ == "__main__":
    import jax
    _d = setup_inputs()
    print(jax.jit(kernel)(*tuple(_d.values())))

</pallas_src>

<mosaic_0001>
#map = affine_map<(d0, d1) -> (0, 0, 0)>
#map1 = affine_map<(d0, d1) -> (0, 0)>
module attributes {stable_mosaic.version = 14 : i64} {
  func.func @gather_kernel(%arg0: i32, %arg1: i32, %arg2: memref<125000x8x64xf32, #tpu.memory_space<hbm>>, %arg3: memref<32x512xi32, #tpu.memory_space<hbm>>, %arg4: memref<32x512xi32, #tpu.memory_space<hbm>>, %arg5: memref<16384x64xf32, #tpu.memory_space<hbm>>, %arg6: memref<512xi32, #tpu.memory_space<vmem>>, %arg7: memref<512xi32, #tpu.memory_space<vmem>>, %arg8: memref<512x64xf32, #tpu.memory_space<vmem>>, %arg9: memref<!tpu.dma_semaphore, #tpu.memory_space<semaphore_mem>>) attributes {dimension_semantics = [#tpu.dimension_semantics<core_parallel>, #tpu.dimension_semantics<subcore_parallel>], iteration_bounds = array<i64: 2, 16>, scalar_prefetch = 0 : i64, scratch_operands = 4 : i64, tpu.core_type = #tpu.core_type<sc_vector_subcore>, window_params = [{transform_indices = #map}, {transform_indices = #map1}, {transform_indices = #map1}, {transform_indices = #map1}]} {
    %mul3A = arith.constant 2 : i32
    %mul3A_0 = arith.muli %arg1, %mul3A : i32
    %add3A = arith.addi %mul3A_0, %arg0 : i32
    %mul3A_1 = arith.constant 512 : i32
    %mul3A_2 = arith.muli %add3A, %mul3A_1 : i32
    "tpu.region"() ({
      %run_scoped3A = tpu.sem_alloc : memref<!tpu.dma_semaphore, #tpu.memory_space<semaphore_mem>>
      %dma_start3A = arith.constant 0 : i32
      %dma_start3A_10 = tpu.memref_slice %arg3[%add3A, %dma_start3A] : memref<32x512xi32, #tpu.memory_space<hbm>> -> memref<1x512xi32, #tpu.memory_space<hbm>>
      %dma_start3A_11 = tpu.memref_squeeze %dma_start3A_10 : memref<1x512xi32, #tpu.memory_space<hbm>> -> memref<512xi32, #tpu.memory_space<hbm>>
      %dma_start3A_12 = arith.constant 0 : i32
      %dma_start3A_13 = tpu.memref_slice %arg3[%add3A, %dma_start3A_12] : memref<32x512xi32, #tpu.memory_space<hbm>> -> memref<1x512xi32, #tpu.memory_space<hbm>>
      %dma_start3A_14 = tpu.memref_squeeze %dma_start3A_13 : memref<1x512xi32, #tpu.memory_space<hbm>> -> memref<512xi32, #tpu.memory_space<hbm>>
      tpu.enqueue_dma source(%dma_start3A_14 : memref<512xi32, #tpu.memory_space<hbm>>) target(%arg6 : memref<512xi32, #tpu.memory_space<vmem>>) target_semaphore(%run_scoped3A : memref<!tpu.dma_semaphore, #tpu.memory_space<semaphore_mem>>)
      %dma_wait3A_15 = arith.constant 0 : i32
      %dma_wait3A_16 = tpu.memref_slice %arg3[%add3A, %dma_wait3A_15] : memref<32x512xi32, #tpu.memory_space<hbm>> -> memref<1x512xi32, #tpu.memory_space<hbm>>
      %dma_wait3A_17 = tpu.memref_squeeze %dma_wait3A_16 : memref<1x512xi32, #tpu.memory_space<hbm>> -> memref<512xi32, #tpu.memory_space<hbm>>
      %dma_wait3A_18 = arith.constant 0 : i32
      %dma_wait3A_19 = tpu.memref_slice %arg3[%add3A, %dma_wait3A_18] : memref<32x512xi32, #tpu.memory_space<hbm>> -> memref<1x512xi32, #tpu.memory_space<hbm>>
      %dma_wait3A_20 = tpu.memref_squeeze %dma_wait3A_19 : memref<1x512xi32, #tpu.memory_space<hbm>> -> memref<512xi32, #tpu.memory_space<hbm>>
      tpu.wait_dma2 semaphore(%run_scoped3A : memref<!tpu.dma_semaphore, #tpu.memory_space<semaphore_mem>>) src(%dma_wait3A_20 : memref<512xi32, #tpu.memory_space<hbm>>) dst(%arg6 : memref<512xi32, #tpu.memory_space<vmem>>)
      tpu.yield
    }) : () -> ()
    "tpu.region"() ({
      %run_scoped3A = tpu.sem_alloc : memref<!tpu.dma_semaphore, #tpu.memory_space<semaphore_mem>>
      %dma_start3A = arith.constant 0 : i32
      %dma_start3A_10 = tpu.memref_slice %arg4[%add3A, %dma_start3A] : memref<32x512xi32, #tpu.memory_space<hbm>> -> memref<1x512xi32, #tpu.memory_space<hbm>>
      %dma_start3A_11 = tpu.memref_squeeze %dma_start3A_10 : memref<1x512xi32, #tpu.memory_space<hbm>> -> memref<512xi32, #tpu.memory_space<hbm>>
      %dma_start3A_12 = arith.constant 0 : i32
      %dma_start3A_13 = tpu.memref_slice %arg4[%add3A, %dma_start3A_12] : memref<32x512xi32, #tpu.memory_space<hbm>> -> memref<1x512xi32, #tpu.memory_space<hbm>>
      %dma_start3A_14 = tpu.memref_squeeze %dma_start3A_13 : memref<1x512xi32, #tpu.memory_space<hbm>> -> memref<512xi32, #tpu.memory_space<hbm>>
      tpu.enqueue_dma source(%dma_start3A_14 : memref<512xi32, #tpu.memory_space<hbm>>) target(%arg7 : memref<512xi32, #tpu.memory_space<vmem>>) target_semaphore(%run_scoped3A : memref<!tpu.dma_semaphore, #tpu.memory_space<semaphore_mem>>)
      %dma_wait3A_15 = arith.constant 0 : i32
      %dma_wait3A_16 = tpu.memref_slice %arg4[%add3A, %dma_wait3A_15] : memref<32x512xi32, #tpu.memory_space<hbm>> -> memref<1x512xi32, #tpu.memory_space<hbm>>
      %dma_wait3A_17 = tpu.memref_squeeze %dma_wait3A_16 : memref<1x512xi32, #tpu.memory_space<hbm>> -> memref<512xi32, #tpu.memory_space<hbm>>
      %dma_wait3A_18 = arith.constant 0 : i32
      %dma_wait3A_19 = tpu.memref_slice %arg4[%add3A, %dma_wait3A_18] : memref<32x512xi32, #tpu.memory_space<hbm>> -> memref<1x512xi32, #tpu.memory_space<hbm>>
      %dma_wait3A_20 = tpu.memref_squeeze %dma_wait3A_19 : memref<1x512xi32, #tpu.memory_space<hbm>> -> memref<512xi32, #tpu.memory_space<hbm>>
      tpu.wait_dma2 semaphore(%run_scoped3A : memref<!tpu.dma_semaphore, #tpu.memory_space<semaphore_mem>>) src(%dma_wait3A_20 : memref<512xi32, #tpu.memory_space<hbm>>) dst(%arg7 : memref<512xi32, #tpu.memory_space<vmem>>)
      tpu.yield
    }) : () -> ()
    %scan3A = arith.constant 0 : i32
    %scan3A_3 = arith.constant 32 : i32
    %scan3A_4 = arith.addi %scan3A, %scan3A_3 : i32
    %scan3A_5 = arith.constant 1 : i32
    scf.for %scan3A_10 = %scan3A to %scan3A_4 step %scan3A_5  : i32 {
      %mul3A_11 = arith.constant 16 : i32
      %mul3A_12 = arith.muli %scan3A_10, %mul3A_11 : i32
      %get3A = arith.index_cast %mul3A_12 : i32 to index
      %get3A_13 = tpu.vector_load %arg6[%get3A] {strides = array<i32>} : memref<512xi32, #tpu.memory_space<vmem>>, vector<16xi32>,
      %get3A_14 = vector.shape_cast %get3A_13 : vector<16xi32> to vector<16xi32>
      %mul3A_15 = arith.constant 16 : i32
      %mul3A_16 = arith.muli %scan3A_10, %mul3A_15 : i32
      %get3A_17 = arith.index_cast %mul3A_16 : i32 to index
      %get3A_18 = tpu.vector_load %arg7[%get3A_17] {strides = array<i32>} : memref<512xi32, #tpu.memory_space<vmem>>, vector<16xi32>,
      %get3A_19 = vector.shape_cast %get3A_18 : vector<16xi32> to vector<16xi32>
      %slice3A = vector.extract_strided_slice %get3A_14 {offsets = [0], sizes = [1], strides = [1]} : vector<16xi32> to vector<1xi32>
      %squeeze3A = vector.extract %slice3A[0] : i32 from vector<1xi32>
      %slice3A_20 = vector.extract_strided_slice %get3A_19 {offsets = [0], sizes = [1], strides = [1]} : vector<16xi32> to vector<1xi32>
      %squeeze3A_21 = vector.extract %slice3A_20[0] : i32 from vector<1xi32>
      %mul3A_22 = arith.constant 16 : i32
      %mul3A_23 = arith.muli %scan3A_10, %mul3A_22 : i32
      %add3A_24 = arith.constant 0 : i32
      %add3A_25 = arith.addi %mul3A_23, %add3A_24 : i32
      %dma_start3A = arith.constant 0 : i32
      %dma_start3A_26 = tpu.memref_slice %arg8[%add3A_25, %dma_start3A] : memref<512x64xf32, #tpu.memory_space<vmem>> -> memref<1x64xf32, #tpu.memory_space<vmem>>
      %dma_start3A_27 = tpu.memref_squeeze %dma_start3A_26 : memref<1x64xf32, #tpu.memory_space<vmem>> -> memref<64xf32, #tpu.memory_space<vmem>>
      %dma_start3A_28 = arith.constant 0 : i32
      %dma_start3A_29 = tpu.memref_slice %arg2[%squeeze3A, %squeeze3A_21, %dma_start3A_28] : memref<125000x8x64xf32, #tpu.memory_space<hbm>> -> memref<1x1x64xf32, #tpu.memory_space<hbm>>
      %dma_start3A_30 = tpu.memref_squeeze %dma_start3A_29 : memref<1x1x64xf32, #tpu.memory_space<hbm>> -> memref<64xf32, #tpu.memory_space<hbm>>
      %dma_start3A_31 = arith.constant 0 : i32
      %dma_start3A_32 = tpu.memref_slice %arg8[%add3A_25, %dma_start3A_31] : memref<512x64xf32, #tpu.memory_space<vmem>> -> memref<1x64xf32, #tpu.memory_space<vmem>>
      %dma_start3A_33 = tpu.memref_squeeze %dma_start3A_32 : memref<1x64xf32, #tpu.memory_space<vmem>> -> memref<64xf32, #tpu.memory_space<vmem>>
      %dma_start3A_34 = arith.constant 0 : i32
      %dma_start3A_35 = tpu.memref_slice %arg2[%squeeze3A, %squeeze3A_21, %dma_start3A_34] : memref<125000x8x64xf32, #tpu.memory_space<hbm>> -> memref<1x1x64xf32, #tpu.memory_space<hbm>>
      %dma_start3A_36 = tpu.memref_squeeze %dma_start3A_35 : memref<1x1x64xf32, #tpu.memory_space<hbm>> -> memref<64xf32, #tpu.memory_space<hbm>>
      tpu.enqueue_dma source(%dma_start3A_36 : memref<64xf32, #tpu.memory_space<hbm>>) target(%dma_start3A_33 : memref<64xf32, #tpu.memory_space<vmem>>) target_semaphore(%arg9 : memref<!tpu.dma_semaphore, #tpu.memory_space<semaphore_mem>>)
      %slice3A_37 = vector.extract_strided_slice %get3A_14 {offsets = [1], sizes = [1], strides = [1]} : vector<16xi32> to vector<1xi32>
      %squeeze3A_38 = vector.extract %slice3A_37[0] : i32 from vector<1xi32>
      %slice3A_39 = vector.extract_strided_slice %get3A_19 {offsets = [1], sizes = [1], strides = [1]} : vector<16xi32> to vector<1xi32>
      %squeeze3A_40 = vector.extract %slice3A_39[0] : i32 from vector<1xi32>
      %mul3A_41 = arith.constant 16 : i32
      %mul3A_42 = arith.muli %scan3A_10, %mul3A_41 : i32
      %add3A_43 = arith.constant 1 : i32
      %add3A_44 = arith.addi %mul3A_42, %add3A_43 : i32
      %dma_start3A_45 = arith.constant 0 : i32
      %dma_start3A_46 = tpu.memref_slice %arg8[%add3A_44, %dma_start3A_45] : memref<512x64xf32, #tpu.memory_space<vmem>> -> memref<1x64xf32, #tpu.memory_space<vmem>>
      %dma_start3A_47 = tpu.memref_squeeze %dma_start3A_46 : memref<1x64xf32, #tpu.memory_space<vmem>> -> memref<64xf32, #tpu.memory_space<vmem>>
      %dma_start3A_48 = arith.constant 0 : i32
      %dma_start3A_49 = tpu.memref_slice %arg2[%squeeze3A_38, %squeeze3A_40, %dma_start3A_48] : memref<125000x8x64xf32, #tpu.memory_space<hbm>> -> memref<1x1x64xf32, #tpu.memory_space<hbm>>
      %dma_start3A_50 = tpu.memref_squeeze %dma_start3A_49 : memref<1x1x64xf32, #tpu.memory_space<hbm>> -> memref<64xf32, #tpu.memory_space<hbm>>
      %dma_start3A_51 = arith.constant 0 : i32
      %dma_start3A_52 = tpu.memref_slice %arg8[%add3A_44, %dma_start3A_51] : memref<512x64xf32, #tpu.memory_space<vmem>> -> memref<1x64xf32, #tpu.memory_space<vmem>>
      %dma_start3A_53 = tpu.memref_squeeze %dma_start3A_52 : memref<1x64xf32, #tpu.memory_space<vmem>> -> memref<64xf32, #tpu.memory_space<vmem>>
      %dma_start3A_54 = arith.constant 0 : i32
      %dma_start3A_55 = tpu.memref_slice %arg2[%squeeze3A_38, %squeeze3A_40, %dma_start3A_54] : memref<125000x8x64xf32, #tpu.memory_space<hbm>> -> memref<1x1x64xf32, #tpu.memory_space<hbm>>
      %dma_start3A_56 = tpu.memref_squeeze %dma_start3A_55 : memref<1x1x64xf32, #tpu.memory_space<hbm>> -> memref<64xf32, #tpu.memory_space<hbm>>
      tpu.enqueue_dma source(%dma_start3A_56 : memref<64xf32, #tpu.memory_space<hbm>>) target(%dma_start3A_53 : memref<64xf32, #tpu.memory_space<vmem>>) target_semaphore(%arg9 : memref<!tpu.dma_semaphore, #tpu.memory_space<semaphore_mem>>)
      %slice3A_57 = vector.extract_strided_slice %get3A_14 {offsets = [2], sizes = [1], strides = [1]} : vector<16xi32> to vector<1xi32>
      %squeeze3A_58 = vector.extract %slice3A_57[0] : i32 from vector<1xi32>
      %slice3A_59 = vector.extract_strided_slice %get3A_19 {offsets = [2], sizes = [1], strides = [1]} : vector<16xi32> to vector<1xi32>
      %squeeze3A_60 = vector.extract %slice3A_59[0] : i32 from vector<1xi32>
      %mul3A_61 = arith.constant 16 : i32
      %mul3A_62 = arith.muli %scan3A_10, %mul3A_61 : i32
      %add3A_63 = arith.constant 2 : i32
      %add3A_64 = arith.addi %mul3A_62, %add3A_63 : i32
      %dma_start3A_65 = arith.constant 0 : i32
      %dma_start3A_66 = tpu.memref_slice %arg8[%add3A_64, %dma_start3A_65] : memref<512x64xf32, #tpu.memory_space<vmem>> -> memref<1x64xf32, #tpu.memory_space<vmem>>
      %dma_start3A_67 = tpu.memref_squeeze %dma_start3A_66 : memref<1x64xf32, #tpu.memory_space<vmem>> -> memref<64xf32, #tpu.memory_space<vmem>>
      %dma_start3A_68 = arith.constant 0 : i32
      %dma_start3A_69 = tpu.memref_slice %arg2[%squeeze3A_58, %squeeze3A_60, %dma_start3A_68] : memref<125000x8x64xf32, #tpu.memory_space<hbm>> -> memref<1x1x64xf32, #tpu.memory_space<hbm>>
      %dma_start3A_70 = tpu.memref_squeeze %dma_start3A_69 : memref<1x1x64xf32, #tpu.memory_space<hbm>> -> memref<64xf32, #tpu.memory_space<hbm>>
      %dma_start3A_71 = arith.constant 0 : i32
      %dma_start3A_72 = tpu.memref_slice %arg8[%add3A_64, %dma_start3A_71] : memref<512x64xf32, #tpu.memory_space<vmem>> -> memref<1x64xf32, #tpu.memory_space<vmem>>
      %dma_start3A_73 = tpu.memref_squeeze %dma_start3A_72 : memref<1x64xf32, #tpu.memory_space<vmem>> -> memref<64xf32, #tpu.memory_space<vmem>>
      %dma_start3A_74 = arith.constant 0 : i32
      %dma_start3A_75 = tpu.memref_slice %arg2[%squeeze3A_58, %squeeze3A_60, %dma_start3A_74] : memref<125000x8x64xf32, #tpu.memory_space<hbm>> -> memref<1x1x64xf32, #tpu.memory_space<hbm>>
      %dma_start3A_76 = tpu.memref_squeeze %dma_start3A_75 : memref<1x1x64xf32, #tpu.memory_space<hbm>> -> memref<64xf32, #tpu.memory_space<hbm>>
      tpu.enqueue_dma source(%dma_start3A_76 : memref<64xf32, #tpu.memory_space<hbm>>) target(%dma_start3A_73 : memref<64xf32, #tpu.memory_space<vmem>>) target_semaphore(%arg9 : memref<!tpu.dma_semaphore, #tpu.memory_space<semaphore_mem>>)
      %slice3A_77 = vector.extract_strided_slice %get3A_14 {offsets = [3], sizes = [1], strides = [1]} : vector<16xi32> to vector<1xi32>
      %squeeze3A_78 = vector.extract %slice3A_77[0] : i32 from vector<1xi32>
      %slice3A_79 = vector.extract_strided_slice %get3A_19 {offsets = [3], sizes = [1], strides = [1]} : vector<16xi32> to vector<1xi32>
      %squeeze3A_80 = vector.extract %slice3A_79[0] : i32 from vector<1xi32>
      %mul3A_81 = arith.constant 16 : i32
      %mul3A_82 = arith.muli %scan3A_10, %mul3A_81 : i32
      %add3A_83 = arith.constant 3 : i32
      %add3A_84 = arith.addi %mul3A_82, %add3A_83 : i32
      %dma_start3A_85 = arith.constant 0 : i32
      %dma_start3A_86 = tpu.memref_slice %arg8[%add3A_84, %dma_start3A_85] : memref<512x64xf32, #tpu.memory_space<vmem>> -> memref<1x64xf32, #tpu.memory_space<vmem>>
      %dma_start3A_87 = tpu.memref_squeeze %dma_start3A_86 : memref<1x64xf32, #tpu.memory_space<vmem>> -> memref<64xf32, #tpu.memory_space<vmem>>
      %dma_start3A_88 = arith.constant 0 : i32
      %dma_start3A_89 = tpu.memref_slice %arg2[%squeeze3A_78, %squeeze3A_80, %dma_start3A_88] : memref<125000x8x64xf32, #tpu.memory_space<hbm>> -> memref<1x1x64xf32, #tpu.memory_space<hbm>>
      %dma_start3A_90 = tpu.memref_squeeze %dma_start3A_89 : memref<1x1x64xf32, #tpu.memory_space<hbm>> -> memref<64xf32, #tpu.memory_space<hbm>>
      %dma_start3A_91 = arith.constant 0 : i32
      %dma_start3A_92 = tpu.memref_slice %arg8[%add3A_84, %dma_start3A_91] : memref<512x64xf32, #tpu.memory_space<vmem>> -> memref<1x64xf32, #tpu.memory_space<vmem>>
      %dma_start3A_93 = tpu.memref_squeeze %dma_start3A_92 : memref<1x64xf32, #tpu.memory_space<vmem>> -> memref<64xf32, #tpu.memory_space<vmem>>
      %dma_start3A_94 = arith.constant 0 : i32
      %dma_start3A_95 = tpu.memref_slice %arg2[%squeeze3A_78, %squeeze3A_80, %dma_start3A_94] : memref<125000x8x64xf32, #tpu.memory_space<hbm>> -> memref<1x1x64xf32, #tpu.memory_space<hbm>>
      %dma_start3A_96 = tpu.memref_squeeze %dma_start3A_95 : memref<1x1x64xf32, #tpu.memory_space<hbm>> -> memref<64xf32, #tpu.memory_space<hbm>>
      tpu.enqueue_dma source(%dma_start3A_96 : memref<64xf32, #tpu.memory_space<hbm>>) target(%dma_start3A_93 : memref<64xf32, #tpu.memory_space<vmem>>) target_semaphore(%arg9 : memref<!tpu.dma_semaphore, #tpu.memory_space<semaphore_mem>>)
      %slice3A_97 = vector.extract_strided_slice %get3A_14 {offsets = [4], sizes = [1], strides = [1]} : vector<16xi32> to vector<1xi32>
      %squeeze3A_98 = vector.extract %slice3A_97[0] : i32 from vector<1xi32>
      %slice3A_99 = vector.extract_strided_slice %get3A_19 {offsets = [4], sizes = [1], strides = [1]} : vector<16xi32> to vector<1xi32>
      %squeeze3A_100 = vector.extract %slice3A_99[0] : i32 from vector<1xi32>
      %mul3A_101 = arith.constant 16 : i32
      %mul3A_102 = arith.muli %scan3A_10, %mul3A_101 : i32
      %add3A_103 = arith.constant 4 : i32
      %add3A_104 = arith.addi %mul3A_102, %add3A_103 : i32
      %dma_start3A_105 = arith.constant 0 : i32
      %dma_start3A_106 = tpu.memref_slice %arg8[%add3A_104, %dma_start3A_105] : memref<512x64xf32, #tpu.memory_space<vmem>> -> memref<1x64xf32, #tpu.memory_space<vmem>>
      %dma_start3A_107 = tpu.memref_squeeze %dma_start3A_106 : memref<1x64xf32, #tpu.memory_space<vmem>> -> memref<64xf32, #tpu.memory_space<vmem>>
      %dma_start3A_108 = arith.constant 0 : i32
      %dma_start3A_109 = tpu.memref_slice %arg2[%squeeze3A_98, %squeeze3A_100, %dma_start3A_108] : memref<125000x8x64xf32, #tpu.memory_space<hbm>> -> memref<1x1x64xf32, #tpu.memory_space<hbm>>
      %dma_start3A_110 = tpu.memref_squeeze %dma_start3A_109 : memref<1x1x64xf32, #tpu.memory_space<hbm>> -> memref<64xf32, #tpu.memory_space<hbm>>
      %dma_start3A_111 = arith.constant 0 : i32
      %dma_start3A_112 = tpu.memref_slice %arg8[%add3A_104, %dma_start3A_111] : memref<512x64xf32, #tpu.memory_space<vmem>> -> memref<1x64xf32, #tpu.memory_space<vmem>>
      %dma_start3A_113 = tpu.memref_squeeze %dma_start3A_112 : memref<1x64xf32, #tpu.memory_space<vmem>> -> memref<64xf32, #tpu.memory_space<vmem>>
      %dma_start3A_114 = arith.constant 0 : i32
      %dma_start3A_115 = tpu.memref_slice %arg2[%squeeze3A_98, %squeeze3A_100, %dma_start3A_114] : memref<125000x8x64xf32, #tpu.memory_space<hbm>> -> memref<1x1x64xf32, #tpu.memory_space<hbm>>
      %dma_start3A_116 = tpu.memref_squeeze %dma_start3A_115 : memref<1x1x64xf32, #tpu.memory_space<hbm>> -> memref<64xf32, #tpu.memory_space<hbm>>
      tpu.enqueue_dma source(%dma_start3A_116 : memref<64xf32, #tpu.memory_space<hbm>>) target(%dma_start3A_113 : memref<64xf32, #tpu.memory_space<vmem>>) target_semaphore(%arg9 : memref<!tpu.dma_semaphore, #tpu.memory_space<semaphore_mem>>)
      %slice3A_117 = vector.extract_strided_slice %get3A_14 {offsets = [5], sizes = [1], strides = [1]} : vector<16xi32> to vector<1xi32>
      %squeeze3A_118 = vector.extract %slice3A_117[0] : i32 from vector<1xi32>
      %slice3A_119 = vector.extract_strided_slice %get3A_19 {offsets = [5], sizes = [1], strides = [1]} : vector<16xi32> to vector<1xi32>
      %squeeze3A_120 = vector.extract %slice3A_119[0] : i32 from vector<1xi32>
      %mul3A_121 = arith.constant 16 : i32
      %mul3A_122 = arith.muli %scan3A_10, %mul3A_121 : i32
      %add3A_123 = arith.constant 5 : i32
      %add3A_124 = arith.addi %mul3A_122, %add3A_123 : i32
      %dma_start3A_125 = arith.constant 0 : i32
      %dma_start3A_126 = tpu.memref_slice %arg8[%add3A_124, %dma_start3A_125] : memref<512x64xf32, #tpu.memory_space<vmem>> -> memref<1x64xf32, #tpu.memory_space<vmem>>
      %dma_start3A_127 = tpu.memref_squeeze %dma_start3A_126 : memref<1x64xf32, #tpu.memory_space<vmem>> -> memref<64xf32, #tpu.memory_space<vmem>>
      %dma_start3A_128 = arith.constant 0 : i32
      %dma_start3A_129 = tpu.memref_slice %arg2[%squeeze3A_118, %squeeze3A_120, %dma_start3A_128] : memref<125000x8x64xf32, #tpu.memory_space<hbm>> -> memref<1x1x64xf32, #tpu.memory_space<hbm>>
      %dma_start3A_130 = tpu.memref_squeeze %dma_start3A_129 : memref<1x1x64xf32, #tpu.memory_space<hbm>> -> memref<64xf32, #tpu.memory_space<hbm>>
      %dma_start3A_131 = arith.constant 0 : i32
      %dma_start3A_132 = tpu.memref_slice %arg8[%add3A_124, %dma_start3A_131] : memref<512x64xf32, #tpu.memory_space<vmem>> -> memref<1x64xf32, #tpu.memory_space<vmem>>
      %dma_start3A_133 = tpu.memref_squeeze %dma_start3A_132 : memref<1x64xf32, #tpu.memory_space<vmem>> -> memref<64xf32, #tpu.memory_space<vmem>>
      %dma_start3A_134 = arith.constant 0 : i32
      %dma_start3A_135 = tpu.memref_slice %arg2[%squeeze3A_118, %squeeze3A_120, %dma_start3A_134] : memref<125000x8x64xf32, #tpu.memory_space<hbm>> -> memref<1x1x64xf32, #tpu.memory_space<hbm>>
      %dma_start3A_136 = tpu.memref_squeeze %dma_start3A_135 : memref<1x1x64xf32, #tpu.memory_space<hbm>> -> memref<64xf32, #tpu.memory_space<hbm>>
      tpu.enqueue_dma source(%dma_start3A_136 : memref<64xf32, #tpu.memory_space<hbm>>) target(%dma_start3A_133 : memref<64xf32, #tpu.memory_space<vmem>>) target_semaphore(%arg9 : memref<!tpu.dma_semaphore, #tpu.memory_space<semaphore_mem>>)
      %slice3A_137 = vector.extract_strided_slice %get3A_14 {offsets = [6], sizes = [1], strides = [1]} : vector<16xi32> to vector<1xi32>
      %squeeze3A_138 = vector.extract %slice3A_137[0] : i32 from vector<1xi32>
      %slice3A_139 = vector.extract_strided_slice %get3A_19 {offsets = [6], sizes = [1], strides = [1]} : vector<16xi32> to vector<1xi32>
      %squeeze3A_140 = vector.extract %slice3A_139[0] : i32 from vector<1xi32>
      %mul3A_141 = arith.constant 16 : i32
      %mul3A_142 = arith.muli %scan3A_10, %mul3A_141 : i32
      %add3A_143 = arith.constant 6 : i32
      %add3A_144 = arith.addi %mul3A_142, %add3A_143 : i32
      %dma_start3A_145 = arith.constant 0 : i32
      %dma_start3A_146 = tpu.memref_slice %arg8[%add3A_144, %dma_start3A_145] : memref<512x64xf32, #tpu.memory_space<vmem>> -> memref<1x64xf32, #tpu.memory_space<vmem>>
      %dma_start3A_147 = tpu.memref_squeeze %dma_start3A_146 : memref<1x64xf32, #tpu.memory_space<vmem>> -> memref<64xf32, #tpu.memory_space<vmem>>
      %dma_start3A_148 = arith.constant 0 : i32
      %dma_start3A_149 = tpu.memref_slice %arg2[%squeeze3A_138, %squeeze3A_140, %dma_start3A_148] : memref<125000x8x64xf32, #tpu.memory_space<hbm>> -> memref<1x1x64xf32, #tpu.memory_space<hbm>>
      %dma_start3A_150 = tpu.memref_squeeze %dma_start3A_149 : memref<1x1x64xf32, #tpu.memory_space<hbm>> -> memref<64xf32, #tpu.memory_space<hbm>>
      %dma_start3A_151 = arith.constant 0 : i32
      %dma_start3A_152 = tpu.memref_slice %arg8[%add3A_144, %dma_start3A_151] : memref<512x64xf32, #tpu.memory_space<vmem>> -> memref<1x64xf32, #tpu.memory_space<vmem>>
      %dma_start3A_153 = tpu.memref_squeeze %dma_start3A_152 : memref<1x64xf32, #tpu.memory_space<vmem>> -> memref<64xf32, #tpu.memory_space<vmem>>
      %dma_start3A_154 = arith.constant 0 : i32
      %dma_start3A_155 = tpu.memref_slice %arg2[%squeeze3A_138, %squeeze3A_140, %dma_start3A_154] : memref<125000x8x64xf32, #tpu.memory_space<hbm>> -> memref<1x1x64xf32, #tpu.memory_space<hbm>>
      %dma_start3A_156 = tpu.memref_squeeze %dma_start3A_155 : memref<1x1x64xf32, #tpu.memory_space<hbm>> -> memref<64xf32, #tpu.memory_space<hbm>>
      tpu.enqueue_dma source(%dma_start3A_156 : memref<64xf32, #tpu.memory_space<hbm>>) target(%dma_start3A_153 : memref<64xf32, #tpu.memory_space<vmem>>) target_semaphore(%arg9 : memref<!tpu.dma_semaphore, #tpu.memory_space<semaphore_mem>>)
      %slice3A_157 = vector.extract_strided_slice %get3A_14 {offsets = [7], sizes = [1], strides = [1]} : vector<16xi32> to vector<1xi32>
      %squeeze3A_158 = vector.extract %slice3A_157[0] : i32 from vector<1xi32>
      %slice3A_159 = vector.extract_strided_slice %get3A_19 {offsets = [7], sizes = [1], strides = [1]} : vector<16xi32> to vector<1xi32>
      %squeeze3A_160 = vector.extract %slice3A_159[0] : i32 from vector<1xi32>
      %mul3A_161 = arith.constant 16 : i32
      %mul3A_162 = arith.muli %scan3A_10, %mul3A_161 : i32
      %add3A_163 = arith.constant 7 : i32
      %add3A_164 = arith.addi %mul3A_162, %add3A_163 : i32
      %dma_start3A_165 = arith.constant 0 : i32
      %dma_start3A_166 = tpu.memref_slice %arg8[%add3A_164, %dma_start3A_165] : memref<512x64xf32, #tpu.memory_space<vmem>> -> memref<1x64xf32, #tpu.memory_space<vmem>>
      %dma_start3A_167 = tpu.memref_squeeze %dma_start3A_166 : memref<1x64xf32, #tpu.memory_space<vmem>> -> memref<64xf32, #tpu.memory_space<vmem>>
      %dma_start3A_168 = arith.constant 0 : i32
      %dma_start3A_169 = tpu.memref_slice %arg2[%squeeze3A_158, %squeeze3A_160, %dma_start3A_168] : memref<125000x8x64xf32, #tpu.memory_space<hbm>> -> memref<1x1x64xf32, #tpu.memory_space<hbm>>
      %dma_start3A_170 = tpu.memref_squeeze %dma_start3A_169 : memref<1x1x64xf32, #tpu.memory_space<hbm>> -> memref<64xf32, #tpu.memory_space<hbm>>
      %dma_start3A_171 = arith.constant 0 : i32
      %dma_start3A_172 = tpu.memref_slice %arg8[%add3A_164, %dma_start3A_171] : memref<512x64xf32, #tpu.memory_space<vmem>> -> memref<1x64xf32, #tpu.memory_space<vmem>>
      %dma_start3A_173 = tpu.memref_squeeze %dma_start3A_172 : memref<1x64xf32, #tpu.memory_space<vmem>> -> memref<64xf32, #tpu.memory_space<vmem>>
      %dma_start3A_174 = arith.constant 0 : i32
      %dma_start3A_175 = tpu.memref_slice %arg2[%squeeze3A_158, %squeeze3A_160, %dma_start3A_174] : memref<125000x8x64xf32, #tpu.memory_space<hbm>> -> memref<1x1x64xf32, #tpu.memory_space<hbm>>
      %dma_start3A_176 = tpu.memref_squeeze %dma_start3A_175 : memref<1x1x64xf32, #tpu.memory_space<hbm>> -> memref<64xf32, #tpu.memory_space<hbm>>
      tpu.enqueue_dma source(%dma_start3A_176 : memref<64xf32, #tpu.memory_space<hbm>>) target(%dma_start3A_173 : memref<64xf32, #tpu.memory_space<vmem>>) target_semaphore(%arg9 : memref<!tpu.dma_semaphore, #tpu.memory_space<semaphore_mem>>)
      %slice3A_177 = vector.extract_strided_slice %get3A_14 {offsets = [8], sizes = [1], strides = [1]} : vector<16xi32> to vector<1xi32>
      %squeeze3A_178 = vector.extract %slice3A_177[0] : i32 from vector<1xi32>
      %slice3A_179 = vector.extract_strided_slice %get3A_19 {offsets = [8], sizes = [1], strides = [1]} : vector<16xi32> to vector<1xi32>
      %squeeze3A_180 = vector.extract %slice3A_179[0] : i32 from vector<1xi32>
      %mul3A_181 = arith.constant 16 : i32
      %mul3A_182 = arith.muli %scan3A_10, %mul3A_181 : i32
      %add3A_183 = arith.constant 8 : i32
      %add3A_184 = arith.addi %mul3A_182, %add3A_183 : i32
      %dma_start3A_185 = arith.constant 0 : i32
      %dma_start3A_186 = tpu.memref_slice %arg8[%add3A_184, %dma_start3A_185] : memref<512x64xf32, #tpu.memory_space<vmem>> -> memref<1x64xf32, #tpu.memory_space<vmem>>
      %dma_start3A_187 = tpu.memref_squeeze %dma_start3A_186 : memref<1x64xf32, #tpu.memory_space<vmem>> -> memref<64xf32, #tpu.memory_space<vmem>>
      %dma_start3A_188 = arith.constant 0 : i32
      %dma_start3A_189 = tpu.memref_slice %arg2[%squeeze3A_178, %squeeze3A_180, %dma_start3A_188] : memref<125000x8x64xf32, #tpu.memory_space<hbm>> -> memref<1x1x64xf32, #tpu.memory_space<hbm>>
      %dma_start3A_190 = tpu.memref_squeeze %dma_start3A_189 : memref<1x1x64xf32, #tpu.memory_space<hbm>> -> memref<64xf32, #tpu.memory_space<hbm>>
      %dma_start3A_191 = arith.constant 0 : i32
      %dma_start3A_192 = tpu.memref_slice %arg8[%add3A_184, %dma_start3A_191] : memref<512x64xf32, #tpu.memory_space<vmem>> -> memref<1x64xf32, #tpu.memory_space<vmem>>
      %dma_start3A_193 = tpu.memref_squeeze %dma_start3A_192 : memref<1x64xf32, #tpu.memory_space<vmem>> -> memref<64xf32, #tpu.memory_space<vmem>>
      %dma_start3A_194 = arith.constant 0 : i32
      %dma_start3A_195 = tpu.memref_slice %arg2[%squeeze3A_178, %squeeze3A_180, %dma_start3A_194] : memref<125000x8x64xf32, #tpu.memory_space<hbm>> -> memref<1x1x64xf32, #tpu.memory_space<hbm>>
      %dma_start3A_196 = tpu.memref_squeeze %dma_start3A_195 : memref<1x1x64xf32, #tpu.memory_space<hbm>> -> memref<64xf32, #tpu.memory_space<hbm>>
      tpu.enqueue_dma source(%dma_start3A_196 : memref<64xf32, #tpu.memory_space<hbm>>) target(%dma_start3A_193 : memref<64xf32, #tpu.memory_space<vmem>>) target_semaphore(%arg9 : memref<!tpu.dma_semaphore, #tpu.memory_space<semaphore_mem>>)
      %slice3A_197 = vector.extract_strided_slice %get3A_14 {offsets = [9], sizes = [1], strides = [1]} : vector<16xi32> to vector<1xi32>
      %squeeze3A_198 = vector.extract %slice3A_197[0] : i32 from vector<1xi32>
      %slice3A_199 = vector.extract_strided_slice %get3A_19 {offsets = [9], sizes = [1], strides = [1]} : vector<16xi32> to vector<1xi32>
      %squeeze3A_200 = vector.extract %slice3A_199[0] : i32 from vector<1xi32>
      %mul3A_201 = arith.constant 16 : i32
      %mul3A_202 = arith.muli %scan3A_10, %mul3A_201 : i32
      %add3A_203 = arith.constant 9 : i32
      %add3A_204 = arith.addi %mul3A_202, %add3A_203 : i32
      %dma_start3A_205 = arith.constant 0 : i32
      %dma_start3A_206 = tpu.memref_slice %arg8[%add3A_204, %dma_start3A_205] : memref<512x64xf32, #tpu.memory_space<vmem>> -> memref<1x64xf32, #tpu.memory_space<vmem>>
      %dma_start3A_207 = tpu.memref_squeeze %dma_start3A_206 : memref<1x64xf32, #tpu.memory_space<vmem>> -> memref<64xf32, #tpu.memory_space<vmem>>
      %dma_start3A_208 = arith.constant 0 : i32
      %dma_start3A_209 = tpu.memref_slice %arg2[%squeeze3A_198, %squeeze3A_200, %dma_start3A_208] : memref<125000x8x64xf32, #tpu.memory_space<hbm>> -> memref<1x1x64xf32, #tpu.memory_space<hbm>>
      %dma_start3A_210 = tpu.memref_squeeze %dma_start3A_209 : memref<1x1x64xf32, #tpu.memory_space<hbm>> -> memref<64xf32, #tpu.memory_space<hbm>>
      %dma_start3A_211 = arith.constant 0 : i32
      %dma_start3A_212 = tpu.memref_slice %arg8[%add3A_204, %dma_start3A_211] : memref<512x64xf32, #tpu.memory_space<vmem>> -> memref<1x64xf32, #tpu.memory_space<vmem>>
      %dma_start3A_213 = tpu.memref_squeeze %dma_start3A_212 : memref<1x64xf32, #tpu.memory_space<vmem>> -> memref<64xf32, #tpu.memory_space<vmem>>
      %dma_start3A_214 = arith.constant 0 : i32
      %dma_start3A_215 = tpu.memref_slice %arg2[%squeeze3A_198, %squeeze3A_200, %dma_start3A_214] : memref<125000x8x64xf32, #tpu.memory_space<hbm>> -> memref<1x1x64xf32, #tpu.memory_space<hbm>>
      %dma_start3A_216 = tpu.memref_squeeze %dma_start3A_215 : memref<1x1x64xf32, #tpu.memory_space<hbm>> -> memref<64xf32, #tpu.memory_space<hbm>>
      tpu.enqueue_dma source(%dma_start3A_216 : memref<64xf32, #tpu.memory_space<hbm>>) target(%dma_start3A_213 : memref<64xf32, #tpu.memory_space<vmem>>) target_semaphore(%arg9 : memref<!tpu.dma_semaphore, #tpu.memory_space<semaphore_mem>>)
      %slice3A_217 = vector.extract_strided_slice %get3A_14 {offsets = [10], sizes = [1], strides = [1]} : vector<16xi32> to vector<1xi32>
      %squeeze3A_218 = vector.extract %slice3A_217[0] : i32 from vector<1xi32>
      %slice3A_219 = vector.extract_strided_slice %get3A_19 {offsets = [10], sizes = [1], strides = [1]} : vector<16xi32> to vector<1xi32>
      %squeeze3A_220 = vector.extract %slice3A_219[0] : i32 from vector<1xi32>
      %mul3A_221 = arith.constant 16 : i32
      %mul3A_222 = arith.muli %scan3A_10, %mul3A_221 : i32
      %add3A_223 = arith.constant 10 : i32
      %add3A_224 = arith.addi %mul3A_222, %add3A_223 : i32
      %dma_start3A_225 = arith.constant 0 : i32
      %dma_start3A_226 = tpu.memref_slice %arg8[%add3A_224, %dma_start3A_225] : memref<512x64xf32, #tpu.memory_space<vmem>> -> memref<1x64xf32, #tpu.memory_space<vmem>>
      %dma_start3A_227 = tpu.memref_squeeze %dma_start3A_226 : memref<1x64xf32, #tpu.memory_space<vmem>> -> memref<64xf32, #tpu.memory_space<vmem>>
      %dma_start3A_228 = arith.constant 0 : i32
      %dma_start3A_229 = tpu.memref_slice %arg2[%squeeze3A_218, %squeeze3A_220, %dma_start3A_228] : memref<125000x8x64xf32, #tpu.memory_space<hbm>> -> memref<1x1x64xf32, #tpu.memory_space<hbm>>
      %dma_start3A_230 = tpu.memref_squeeze %dma_start3A_229 : memref<1x1x64xf32, #tpu.memory_space<hbm>> -> memref<64xf32, #tpu.memory_space<hbm>>
      %dma_start3A_231 = arith.constant 0 : i32
      %dma_start3A_232 = tpu.memref_slice %arg8[%add3A_224, %dma_start3A_231] : memref<512x64xf32, #tpu.memory_space<vmem>> -> memref<1x64xf32, #tpu.memory_space<vmem>>
      %dma_start3A_233 = tpu.memref_squeeze %dma_start3A_232 : memref<1x64xf32, #tpu.memory_space<vmem>> -> memref<64xf32, #tpu.memory_space<vmem>>
      %dma_start3A_234 = arith.constant 0 : i32
      %dma_start3A_235 = tpu.memref_slice %arg2[%squeeze3A_218, %squeeze3A_220, %dma_start3A_234] : memref<125000x8x64xf32, #tpu.memory_space<hbm>> -> memref<1x1x64xf32, #tpu.memory_space<hbm>>
      %dma_start3A_236 = tpu.memref_squeeze %dma_start3A_235 : memref<1x1x64xf32, #tpu.memory_space<hbm>> -> memref<64xf32, #tpu.memory_space<hbm>>
      tpu.enqueue_dma source(%dma_start3A_236 : memref<64xf32, #tpu.memory_space<hbm>>) target(%dma_start3A_233 : memref<64xf32, #tpu.memory_space<vmem>>) target_semaphore(%arg9 : memref<!tpu.dma_semaphore, #tpu.memory_space<semaphore_mem>>)
      %slice3A_237 = vector.extract_strided_slice %get3A_14 {offsets = [11], sizes = [1], strides = [1]} : vector<16xi32> to vector<1xi32>
      %squeeze3A_238 = vector.extract %slice3A_237[0] : i32 from vector<1xi32>
      %slice3A_239 = vector.extract_strided_slice %get3A_19 {offsets = [11], sizes = [1], strides = [1]} : vector<16xi32> to vector<1xi32>
      %squeeze3A_240 = vector.extract %slice3A_239[0] : i32 from vector<1xi32>
      %mul3A_241 = arith.constant 16 : i32
      %mul3A_242 = arith.muli %scan3A_10, %mul3A_241 : i32
      %add3A_243 = arith.constant 11 : i32
      %add3A_244 = arith.addi %mul3A_242, %add3A_243 : i32
      %dma_start3A_245 = arith.constant 0 : i32
      %dma_start3A_246 = tpu.memref_slice %arg8[%add3A_244, %dma_start3A_245] : memref<512x64xf32, #tpu.memory_space<vmem>> -> memref<1x64xf32, #tpu.memory_space<vmem>>
      %dma_start3A_247 = tpu.memref_squeeze %dma_start3A_246 : memref<1x64xf32, #tpu.memory_space<vmem>> -> memref<64xf32, #tpu.memory_space<vmem>>
      %dma_start3A_248 = arith.constant 0 : i32
      %dma_start3A_249 = tpu.memref_slice %arg2[%squeeze3A_238, %squeeze3A_240, %dma_start3A_248] : memref<125000x8x64xf32, #tpu.memory_space<hbm>> -> memref<1x1x64xf32, #tpu.memory_space<hbm>>
      %dma_start3A_250 = tpu.memref_squeeze %dma_start3A_249 : memref<1x1x64xf32, #tpu.memory_space<hbm>> -> memref<64xf32, #tpu.memory_space<hbm>>
      %dma_start3A_251 = arith.constant 0 : i32
      %dma_start3A_252 = tpu.memref_slice %arg8[%add3A_244, %dma_start3A_251] : memref<512x64xf32, #tpu.memory_space<vmem>> -> memref<1x64xf32, #tpu.memory_space<vmem>>
      %dma_start3A_253 = tpu.memref_squeeze %dma_start3A_252 : memref<1x64xf32, #tpu.memory_space<vmem>> -> memref<64xf32, #tpu.memory_space<vmem>>
      %dma_start3A_254 = arith.constant 0 : i32
      %dma_start3A_255 = tpu.memref_slice %arg2[%squeeze3A_238, %squeeze3A_240, %dma_start3A_254] : memref<125000x8x64xf32, #tpu.memory_space<hbm>> -> memref<1x1x64xf32, #tpu.memory_space<hbm>>
      %dma_start3A_256 = tpu.memref_squeeze %dma_start3A_255 : memref<1x1x64xf32, #tpu.memory_space<hbm>> -> memref<64xf32, #tpu.memory_space<hbm>>
      tpu.enqueue_dma source(%dma_start3A_256 : memref<64xf32, #tpu.memory_space<hbm>>) target(%dma_start3A_253 : memref<64xf32, #tpu.memory_space<vmem>>) target_semaphore(%arg9 : memref<!tpu.dma_semaphore, #tpu.memory_space<semaphore_mem>>)
      %slice3A_257 = vector.extract_strided_slice %get3A_14 {offsets = [12], sizes = [1], strides = [1]} : vector<16xi32> to vector<1xi32>
      %squeeze3A_258 = vector.extract %slice3A_257[0] : i32 from vector<1xi32>
      %slice3A_259 = vector.extract_strided_slice %get3A_19 {offsets = [12], sizes = [1], strides = [1]} : vector<16xi32> to vector<1xi32>
      %squeeze3A_260 = vector.extract %slice3A_259[0] : i32 from vector<1xi32>
      %mul3A_261 = arith.constant 16 : i32
      %mul3A_262 = arith.muli %scan3A_10, %mul3A_261 : i32
      %add3A_263 = arith.constant 12 : i32
      %add3A_264 = arith.addi %mul3A_262, %add3A_263 : i32
      %dma_start3A_265 = arith.constant 0 : i32
      %dma_start3A_266 = tpu.memref_slice %arg8[%add3A_264, %dma_start3A_265] : memref<512x64xf32, #tpu.memory_space<vmem>> -> memref<1x64xf32, #tpu.memory_space<vmem>>
      %dma_start3A_267 = tpu.memref_squeeze %dma_start3A_266 : memref<1x64xf32, #tpu.memory_space<vmem>> -> memref<64xf32, #tpu.memory_space<vmem>>
      %dma_start3A_268 = arith.constant 0 : i32
      %dma_start3A_269 = tpu.memref_slice %arg2[%squeeze3A_258, %squeeze3A_260, %dma_start3A_268] : memref<125000x8x64xf32, #tpu.memory_space<hbm>> -> memref<1x1x64xf32, #tpu.memory_space<hbm>>
      %dma_start3A_270 = tpu.memref_squeeze %dma_start3A_269 : memref<1x1x64xf32, #tpu.memory_space<hbm>> -> memref<64xf32, #tpu.memory_space<hbm>>
      %dma_start3A_271 = arith.constant 0 : i32
      %dma_start3A_272 = tpu.memref_slice %arg8[%add3A_264, %dma_start3A_271] : memref<512x64xf32, #tpu.memory_space<vmem>> -> memref<1x64xf32, #tpu.memory_space<vmem>>
      %dma_start3A_273 = tpu.memref_squeeze %dma_start3A_272 : memref<1x64xf32, #tpu.memory_space<vmem>> -> memref<64xf32, #tpu.memory_space<vmem>>
      %dma_start3A_274 = arith.constant 0 : i32
      %dma_start3A_275 = tpu.memref_slice %arg2[%squeeze3A_258, %squeeze3A_260, %dma_start3A_274] : memref<125000x8x64xf32, #tpu.memory_space<hbm>> -> memref<1x1x64xf32, #tpu.memory_space<hbm>>
      %dma_start3A_276 = tpu.memref_squeeze %dma_start3A_275 : memref<1x1x64xf32, #tpu.memory_space<hbm>> -> memref<64xf32, #tpu.memory_space<hbm>>
      tpu.enqueue_dma source(%dma_start3A_276 : memref<64xf32, #tpu.memory_space<hbm>>) target(%dma_start3A_273 : memref<64xf32, #tpu.memory_space<vmem>>) target_semaphore(%arg9 : memref<!tpu.dma_semaphore, #tpu.memory_space<semaphore_mem>>)
      %slice3A_277 = vector.extract_strided_slice %get3A_14 {offsets = [13], sizes = [1], strides = [1]} : vector<16xi32> to vector<1xi32>
      %squeeze3A_278 = vector.extract %slice3A_277[0] : i32 from vector<1xi32>
      %slice3A_279 = vector.extract_strided_slice %get3A_19 {offsets = [13], sizes = [1], strides = [1]} : vector<16xi32> to vector<1xi32>
      %squeeze3A_280 = vector.extract %slice3A_279[0] : i32 from vector<1xi32>
      %mul3A_281 = arith.constant 16 : i32
      %mul3A_282 = arith.muli %scan3A_10, %mul3A_281 : i32
      %add3A_283 = arith.constant 13 : i32
      %add3A_284 = arith.addi %mul3A_282, %add3A_283 : i32
      %dma_start3A_285 = arith.constant 0 : i32
      %dma_start3A_286 = tpu.memref_slice %arg8[%add3A_284, %dma_start3A_285] : memref<512x64xf32, #tpu.memory_space<vmem>> -> memref<1x64xf32, #tpu.memory_space<vmem>>
      %dma_start3A_287 = tpu.memref_squeeze %dma_start3A_286 : memref<1x64xf32, #tpu.memory_space<vmem>> -> memref<64xf32, #tpu.memory_space<vmem>>
      %dma_start3A_288 = arith.constant 0 : i32
      %dma_start3A_289 = tpu.memref_slice %arg2[%squeeze3A_278, %squeeze3A_280, %dma_start3A_288] : memref<125000x8x64xf32, #tpu.memory_space<hbm>> -> memref<1x1x64xf32, #tpu.memory_space<hbm>>
      %dma_start3A_290 = tpu.memref_squeeze %dma_start3A_289 : memref<1x1x64xf32, #tpu.memory_space<hbm>> -> memref<64xf32, #tpu.memory_space<hbm>>
      %dma_start3A_291 = arith.constant 0 : i32
      %dma_start3A_292 = tpu.memref_slice %arg8[%add3A_284, %dma_start3A_291] : memref<512x64xf32, #tpu.memory_space<vmem>> -> memref<1x64xf32, #tpu.memory_space<vmem>>
      %dma_start3A_293 = tpu.memref_squeeze %dma_start3A_292 : memref<1x64xf32, #tpu.memory_space<vmem>> -> memref<64xf32, #tpu.memory_space<vmem>>
      %dma_start3A_294 = arith.constant 0 : i32
      %dma_start3A_295 = tpu.memref_slice %arg2[%squeeze3A_278, %squeeze3A_280, %dma_start3A_294] : memref<125000x8x64xf32, #tpu.memory_space<hbm>> -> memref<1x1x64xf32, #tpu.memory_space<hbm>>
      %dma_start3A_296 = tpu.memref_squeeze %dma_start3A_295 : memref<1x1x64xf32, #tpu.memory_space<hbm>> -> memref<64xf32, #tpu.memory_space<hbm>>
      tpu.enqueue_dma source(%dma_start3A_296 : memref<64xf32, #tpu.memory_space<hbm>>) target(%dma_start3A_293 : memref<64xf32, #tpu.memory_space<vmem>>) target_semaphore(%arg9 : memref<!tpu.dma_semaphore, #tpu.memory_space<semaphore_mem>>)
      %slice3A_297 = vector.extract_strided_slice %get3A_14 {offsets = [14], sizes = [1], strides = [1]} : vector<16xi32> to vector<1xi32>
      %squeeze3A_298 = vector.extract %slice3A_297[0] : i32 from vector<1xi32>
      %slice3A_299 = vector.extract_strided_slice %get3A_19 {offsets = [14], sizes = [1], strides = [1]} : vector<16xi32> to vector<1xi32>
      %squeeze3A_300 = vector.extract %slice3A_299[0] : i32 from vector<1xi32>
      %mul3A_301 = arith.constant 16 : i32
      %mul3A_302 = arith.muli %scan3A_10, %mul3A_301 : i32
      %add3A_303 = arith.constant 14 : i32
      %add3A_304 = arith.addi %mul3A_302, %add3A_303 : i32
      %dma_start3A_305 = arith.constant 0 : i32
      %dma_start3A_306 = tpu.memref_slice %arg8[%add3A_304, %dma_start3A_305] : memref<512x64xf32, #tpu.memory_space<vmem>> -> memref<1x64xf32, #tpu.memory_space<vmem>>
      %dma_start3A_307 = tpu.memref_squeeze %dma_start3A_306 : memref<1x64xf32, #tpu.memory_space<vmem>> -> memref<64xf32, #tpu.memory_space<vmem>>
      %dma_start3A_308 = arith.constant 0 : i32
      %dma_start3A_309 = tpu.memref_slice %arg2[%squeeze3A_298, %squeeze3A_300, %dma_start3A_308] : memref<125000x8x64xf32, #tpu.memory_space<hbm>> -> memref<1x1x64xf32, #tpu.memory_space<hbm>>
      %dma_start3A_310 = tpu.memref_squeeze %dma_start3A_309 : memref<1x1x64xf32, #tpu.memory_space<hbm>> -> memref<64xf32, #tpu.memory_space<hbm>>
      %dma_start3A_311 = arith.constant 0 : i32
      %dma_start3A_312 = tpu.memref_slice %arg8[%add3A_304, %dma_start3A_311] : memref<512x64xf32, #tpu.memory_space<vmem>> -> memref<1x64xf32, #tpu.memory_space<vmem>>
      %dma_start3A_313 = tpu.memref_squeeze %dma_start3A_312 : memref<1x64xf32, #tpu.memory_space<vmem>> -> memref<64xf32, #tpu.memory_space<vmem>>
      %dma_start3A_314 = arith.constant 0 : i32
      %dma_start3A_315 = tpu.memref_slice %arg2[%squeeze3A_298, %squeeze3A_300, %dma_start3A_314] : memref<125000x8x64xf32, #tpu.memory_space<hbm>> -> memref<1x1x64xf32, #tpu.memory_space<hbm>>
      %dma_start3A_316 = tpu.memref_squeeze %dma_start3A_315 : memref<1x1x64xf32, #tpu.memory_space<hbm>> -> memref<64xf32, #tpu.memory_space<hbm>>
      tpu.enqueue_dma source(%dma_start3A_316 : memref<64xf32, #tpu.memory_space<hbm>>) target(%dma_start3A_313 : memref<64xf32, #tpu.memory_space<vmem>>) target_semaphore(%arg9 : memref<!tpu.dma_semaphore, #tpu.memory_space<semaphore_mem>>)
      %slice3A_317 = vector.extract_strided_slice %get3A_14 {offsets = [15], sizes = [1], strides = [1]} : vector<16xi32> to vector<1xi32>
      %squeeze3A_318 = vector.extract %slice3A_317[0] : i32 from vector<1xi32>
      %slice3A_319 = vector.extract_strided_slice %get3A_19 {offsets = [15], sizes = [1], strides = [1]} : vector<16xi32> to vector<1xi32>
      %squeeze3A_320 = vector.extract %slice3A_319[0] : i32 from vector<1xi32>
      %mul3A_321 = arith.constant 16 : i32
      %mul3A_322 = arith.muli %scan3A_10, %mul3A_321 : i32
      %add3A_323 = arith.constant 15 : i32
      %add3A_324 = arith.addi %mul3A_322, %add3A_323 : i32
      %dma_start3A_325 = arith.constant 0 : i32
      %dma_start3A_326 = tpu.memref_slice %arg8[%add3A_324, %dma_start3A_325] : memref<512x64xf32, #tpu.memory_space<vmem>> -> memref<1x64xf32, #tpu.memory_space<vmem>>
      %dma_start3A_327 = tpu.memref_squeeze %dma_start3A_326 : memref<1x64xf32, #tpu.memory_space<vmem>> -> memref<64xf32, #tpu.memory_space<vmem>>
      %dma_start3A_328 = arith.constant 0 : i32
      %dma_start3A_329 = tpu.memref_slice %arg2[%squeeze3A_318, %squeeze3A_320, %dma_start3A_328] : memref<125000x8x64xf32, #tpu.memory_space<hbm>> -> memref<1x1x64xf32, #tpu.memory_space<hbm>>
      %dma_start3A_330 = tpu.memref_squeeze %dma_start3A_329 : memref<1x1x64xf32, #tpu.memory_space<hbm>> -> memref<64xf32, #tpu.memory_space<hbm>>
      %dma_start3A_331 = arith.constant 0 : i32
      %dma_start3A_332 = tpu.memref_slice %arg8[%add3A_324, %dma_start3A_331] : memref<512x64xf32, #tpu.memory_space<vmem>> -> memref<1x64xf32, #tpu.memory_space<vmem>>
      %dma_start3A_333 = tpu.memref_squeeze %dma_start3A_332 : memref<1x64xf32, #tpu.memory_space<vmem>> -> memref<64xf32, #tpu.memory_space<vmem>>
      %dma_start3A_334 = arith.constant 0 : i32
      %dma_start3A_335 = tpu.memref_slice %arg2[%squeeze3A_318, %squeeze3A_320, %dma_start3A_334] : memref<125000x8x64xf32, #tpu.memory_space<hbm>> -> memref<1x1x64xf32, #tpu.memory_space<hbm>>
      %dma_start3A_336 = tpu.memref_squeeze %dma_start3A_335 : memref<1x1x64xf32, #tpu.memory_space<hbm>> -> memref<64xf32, #tpu.memory_space<hbm>>
      tpu.enqueue_dma source(%dma_start3A_336 : memref<64xf32, #tpu.memory_space<hbm>>) target(%dma_start3A_333 : memref<64xf32, #tpu.memory_space<vmem>>) target_semaphore(%arg9 : memref<!tpu.dma_semaphore, #tpu.memory_space<semaphore_mem>>)
    }
    %scan3A_6 = arith.constant 32 : i32
    %dma_wait3A = arith.constant 0 : i32
    %dma_wait3A_7 = tpu.memref_slice %arg5[%mul3A_2, %dma_wait3A] : memref<16384x64xf32, #tpu.memory_space<hbm>> -> memref<512x64xf32, #tpu.memory_space<hbm>>
    %dma_wait3A_8 = arith.constant 0 : i32
    %dma_wait3A_9 = tpu.memref_slice %arg5[%mul3A_2, %dma_wait3A_8] : memref<16384x64xf32, #tpu.memory_space<hbm>> -> memref<512x64xf32, #tpu.memory_space<hbm>>
    tpu.wait_dma2 semaphore(%arg9 : memref<!tpu.dma_semaphore, #tpu.memory_space<semaphore_mem>>) src(%dma_wait3A_9 : memref<512x64xf32, #tpu.memory_space<hbm>>) dst(%arg8 : memref<512x64xf32, #tpu.memory_space<vmem>>)
    "tpu.region"() ({
      %run_scoped3A = tpu.sem_alloc : memref<!tpu.dma_semaphore, #tpu.memory_space<semaphore_mem>>
      %dma_start3A = arith.constant 0 : i32
      %dma_start3A_10 = tpu.memref_slice %arg5[%mul3A_2, %dma_start3A] : memref<16384x64xf32, #tpu.memory_space<hbm>> -> memref<512x64xf32, #tpu.memory_space<hbm>>
      %dma_start3A_11 = arith.constant 0 : i32
      %dma_start3A_12 = tpu.memref_slice %arg5[%mul3A_2, %dma_start3A_11] : memref<16384x64xf32, #tpu.memory_space<hbm>> -> memref<512x64xf32, #tpu.memory_space<hbm>>
      tpu.enqueue_dma source(%arg8 : memref<512x64xf32, #tpu.memory_space<vmem>>) target(%dma_start3A_12 : memref<512x64xf32, #tpu.memory_space<hbm>>) target_semaphore(%run_scoped3A : memref<!tpu.dma_semaphore, #tpu.memory_space<semaphore_mem>>)
      %dma_wait3A_13 = arith.constant 0 : i32
      %dma_wait3A_14 = tpu.memref_slice %arg5[%mul3A_2, %dma_wait3A_13] : memref<16384x64xf32, #tpu.memory_space<hbm>> -> memref<512x64xf32, #tpu.memory_space<hbm>>
      %dma_wait3A_15 = arith.constant 0 : i32
      %dma_wait3A_16 = tpu.memref_slice %arg5[%mul3A_2, %dma_wait3A_15] : memref<16384x64xf32, #tpu.memory_space<hbm>> -> memref<512x64xf32, #tpu.memory_space<hbm>>
      tpu.wait_dma2 semaphore(%run_scoped3A : memref<!tpu.dma_semaphore, #tpu.memory_space<semaphore_mem>>) src(%arg8 : memref<512x64xf32, #tpu.memory_space<vmem>>) dst(%dma_wait3A_16 : memref<512x64xf32, #tpu.memory_space<hbm>>)
      tpu.yield
    }) : () -> ()
    return
  }
}

module attributes {stable_mosaic.version = 14 : i64} {
  func.func @film_kernel(%arg0: i32, %arg1: memref<4096x64xf32, #tpu.memory_space<vmem>>, %arg2: memref<64x4096xf32, #tpu.memory_space<vmem>>, %arg3: memref<64x128xf32, #tpu.memory_space<vmem>>, %arg4: memref<1x128xf32, #tpu.memory_space<vmem>>, %arg5: memref<64x4096xf32, #tpu.memory_space<vmem>>) attributes {dimension_semantics = [#tpu.dimension_semantics<arbitrary>], iteration_bounds = array<i64: 4>, scalar_prefetch = 0 : i64, scratch_operands = 0 : i64, tpu.core_type = #tpu.core_type<tc>, window_params = [{transform_indices = @transform_0, window_bounds = array<i64: 4096, 64>}, {transform_indices = @transform_1, window_bounds = array<i64: 64, 4096>}, {pipeline_mode = #tpu.pipeline_mode<synchronous>, transform_indices = @transform_2, window_bounds = array<i64: 64, 128>}, {pipeline_mode = #tpu.pipeline_mode<synchronous>, transform_indices = @transform_3, window_bounds = array<i64: 1, 128>}, {transform_indices = @transform_4, window_bounds = array<i64: 64, 4096>}]} {
    %get3A = arith.constant 0 : index
    %get3A_0 = arith.constant 0 : index
    %get3A_1 = vector.load %arg1[%get3A, %get3A_0] : memref<4096x64xf32, #tpu.memory_space<vmem>>, vector<4096x64xf32>
    %get3A_2 = arith.constant 0 : index
    %get3A_3 = arith.constant 0 : index
    %get3A_4 = vector.load %arg3[%get3A_2, %get3A_3] : memref<64x128xf32, #tpu.memory_space<vmem>>, vector<64x128xf32>
    %dot_general3A = arith.constant dense<0.000000e+00> : vector<4096x128xf32>
    %dot_general3A_5 = tpu.matmul %get3A_1, %get3A_4, %dot_general3A {dimension_numbers = #tpu.dot_dimension_numbers<[1], [0], [0], [1], [0, 0, 1, 1], [], []>, precision = #tpu.contract_precision<fp32>, transpose_lhs_hint = false} : vector<4096x64xf32>, vector<64x128xf32>, vector<4096x128xf32> -> vector<4096x128xf32>
    %get3A_6 = arith.constant 0 : index
    %get3A_7 = arith.constant 0 : index
    %get3A_8 = vector.load %arg4[%get3A_6, %get3A_7] : memref<1x128xf32, #tpu.memory_space<vmem>>, vector<1x128xf32>
    %add3A = vector.broadcast %get3A_8 : vector<1x128xf32> to vector<4096x128xf32>
    %add3A_9 = arith.addf %dot_general3A_5, %add3A : vector<4096x128xf32>
    %transpose3A = tpu.transpose %add3A_9, [1, 0] : vector<4096x128xf32> -> vector<128x4096xf32>
    %get3A_10 = arith.constant 0 : index
    %get3A_11 = arith.constant 0 : index
    %get3A_12 = vector.load %arg2[%get3A_10, %get3A_11] : memref<64x4096xf32, #tpu.memory_space<vmem>>, vector<64x4096xf32>
    %slice3A = vector.extract_strided_slice %transpose3A {offsets = [0, 0], sizes = [64, 4096], strides = [1, 1]} : vector<128x4096xf32> to vector<64x4096xf32>
    %add3A_13 = arith.constant 1.000000e+00 : f32
    %add3A_14 = vector.broadcast %add3A_13 : f32 to vector<64x4096xf32>
    %add3A_15 = arith.addf %add3A_14, %slice3A : vector<64x4096xf32>
    %mul3A = arith.mulf %get3A_12, %add3A_15 : vector<64x4096xf32>
    %slice3A_16 = vector.extract_strided_slice %transpose3A {offsets = [64, 0], sizes = [64, 4096], strides = [1, 1]} : vector<128x4096xf32> to vector<64x4096xf32>
    %add3A_17 = arith.addf %mul3A, %slice3A_16 : vector<64x4096xf32>
    %swap3A = arith.constant 0 : index
    %swap3A_18 = arith.constant 0 : index
    %swap3A_19 = vector.load %arg5[%swap3A, %swap3A_18] : memref<64x4096xf32, #tpu.memory_space<vmem>>, vector<64x4096xf32>
    tpu.vector_store %arg5[%swap3A, %swap3A_18], %add3A_17 {strides = array<i32>} : memref<64x4096xf32, #tpu.memory_space<vmem>>, vector<64x4096xf32>,
    return
  }
  func.func @transform_0(%arg0: i32) -> (i32, i32) {
    %c0_i32 = arith.constant 0 : i32
    %c0_i32_0 = arith.constant 0 : i32
    return %arg0, %c0_i32 : i32, i32
  }
  func.func @transform_1(%arg0: i32) -> (i32, i32) {
    %c0_i32 = arith.constant 0 : i32
    %c0_i32_0 = arith.constant 0 : i32
    return %c0_i32, %arg0 : i32, i32
  }
  func.func @transform_2(%arg0: i32) -> (i32, i32) {
    %c0_i32 = arith.constant 0 : i32
    %c0_i32_0 = arith.constant 0 : i32
    %c0_i32_1 = arith.constant 0 : i32
    return %c0_i32, %c0_i32_0 : i32, i32
  }
  func.func @transform_3(%arg0: i32) -> (i32, i32) {
    %c0_i32 = arith.constant 0 : i32
    %c0_i32_0 = arith.constant 0 : i32
    %c0_i32_1 = arith.constant 0 : i32
    return %c0_i32, %c0_i32_0 : i32, i32
  }
  func.func @transform_4(%arg0: i32) -> (i32, i32) {
    %c0_i32 = arith.constant 0 : i32
    %c0_i32_0 = arith.constant 0 : i32
    return %c0_i32, %arg0 : i32, i32
  }
}

</mosaic_0001>

<sc_bundles>
// kernel: kernel.4.cloned.1.call-start
scs
__scs_entry_jumppad:
0x0: {  	(pc) =	sbr.rel $0x88, $3  }
0x1: {  	(tag) =	ssettag $0x0;
	lr =	simm.s32 $0x1  }
0x2: {  	[smem:$0x3F9C] =	sst lr;
	_ =	strace $0xD0000000  }
0x3: {  	_ = 	snop  }
0x4: {  	_ = 	snop  }
0x5: {  	_ = 	snop  }
0x6: {  	_ = 	snop  }
0x7: {  	_ = 	snop  }
__scs_overlays_trampoline_lowered:
0x8: {  	[smem:$0x3FAB] =	sst s0  }
0x9: {  	[smem:$0x3FAC] =	sst s1  }
0xa: {  	[smem:$0x3FAD] =	sst s2  }
0xb: {  	[smem:$0x3FAE] =	sst s3  }
0xc: {  	[smem:$0x3FAF] =	sst s4  }
0xd: {  	[smem:$0x3FB0] =	sst s5  }
0xe: {  	[smem:$0x3FB1] =	sst s6  }
0xf: {  	[smem:$0x3FB2] =	sst s7  }
0x10: {  	[smem:$0x3FB3] =	sst s8  }
0x11: {  	[smem:$0x3FB4] =	sst s9;
	s0 =	simm.s32 @!p0 $0x0  }
0x12: {  	s1 =	sld [smem:$0x3F9A];
	s0 =	simm.s32 @p0 $0x1  }
0x13: {  	[smem:$0x3FB5] =	sst s0;
	s0 =	simm.s32 @!p1 $0x0  }
0x14: {  	s2 =	sld [smem:$0x3F99];
	s0 =	simm.s32 @p1 $0x1  }
0x15: {  	[smem:$0x3FB6] =	sst s0;
	s0 =	simm.s32 @!p2 $0x0  }
0x16: {  	s3 =	sld [smem:$0x3FDB];
	s0 =	simm.s32 @p2 $0x1  }
0x17: {  	s4 =	simm.s32 $0x1BF5;
	[smem:$0x3FB8] =	sst s0  }
0x18: {  	s0 =	sld [smem:$0x3F9B];
	_ =	swait.ge [sflag:s4], $0x0  }
0x19: {  	s7 =	sld [smem:$0x3F9C]  }
0x1a: {  	s8 =	sadd.s32 $0xFFFFE003, lr  }
0x1b: {  	s9 =	sadd.s32 $0xFFFFFEF7, lr;
	s5 =	simm.s32 $0xFFFFFFFF;
	p2 =	slt.u32 s8, $0xFFFFF086  }
0x1c: {  	p1 =	slt.u32 s9, $0xF7A;
	s5 =	simm.s32 @!p2 $0x0  }
0x1d: {  	s5 =	simm.s32 @p1 $0x1;
	p0 =	seq.s32 s7, s2  }
0x1e: {  	s7 =	smul.u32 @!p0 $0xF7A, s2;
	p2 =	seq.s32 @!p0 s5, $0x0  }
0x1f: {  	s9 =	smul.u32 $0xF7A, s1;
	s8 =	simm.s32 @!p0 $0x1BF5;
	p2 =	por !p2, p0  }
0x20: {  	[sflag:s8] =	ssyncset.s32 @!p0 $0xFFFFF086;
	s6 =	sadd.s32 @!p0 s3, s7;
	s7 =	simm.s32 @!p0 $0x108  }
0x21: {  	s3 =	sadd.s32 s3, s9;
	s6 =	sadd.s32 @!p0 $0x88, s6;
	s7 =	simm.s32 @p2 $0x1082  }
0x22: {  	[simem:s7], [sflag:s8] =	dma.local @!p0 [hbm:s6], $0xF7A  }
0x23: {  	s9 =	sor.u32 $0xD0000000, s2;
	s6 =	simm.s32 $0x108;
	_ =	swait.ge @!p0 [sflag:s8], $0x0  }
0x24: {  	s3 =	sadd.s32 $0x88, s3;
	s6 =	simm.s32 @!p1 $0x1082;
	[sflag:s4] =	ssyncset.s32 $0xFFFFF086  }
0x25: {  	[simem:s6], [sflag:s4] =	dma.local [hbm:s3], $0xF7A  }
0x26: {  	[smem:$0x3F9C] =	sst s1;
	(tag) =	ssettag s2;
	_ =	strace s9  }
0x27: {  	s1 =	sld [smem:$0x3FAC]  }
0x28: {  	s2 =	sld [smem:$0x3FAD]  }
0x29: {  	s4 =	sld [smem:$0x3FAF]  }
0x2a: {  	p0 =	seq.s32 s5, $0x0;
	s5 =	sld [smem:$0x3FB0]  }
0x2b: {  	s6 =	sld [smem:$0x3FB1]  }
0x2c: {  	s7 =	sld [smem:$0x3FB2]  }
0x2d: {  	s3 =	simm.s32 $0x108;
	s8 =	sld [smem:$0x3FB3]  }
0x2e: {  	s3 =	simm.s32 @!p0 $0x1082;
	s9 =	sld [smem:$0x3FB4]  }
0x2f: {  	lr =	sadd.s32 s0, s3;
	s0 =	sld [smem:$0x3FAB]  }
0x30: {  	s3 =	sld [smem:$0x3FAE]  }
0x31: {  	[smem:$0x3FB7] =	sst s10  }
0x32: {  	s10 =	sld [smem:$0x3FB5];
	_ =	sdelay $0x3  }
0x33: {  	p0 =	seq.s32 s10, $0x1;
	s10 =	sld [smem:$0x3FB7];
	_ =	sdelay $0x3  }
0x34: {  	[smem:$0x3FB7] =	sst s10  }
0x35: {  	s10 =	sld [smem:$0x3FB6];
	_ =	sdelay $0x3  }
0x36: {  	p1 =	seq.s32 s10, $0x1;
	s10 =	sld [smem:$0x3FB7];
	_ =	sdelay $0x3  }
0x37: {  	[smem:$0x3FB7] =	sst s10  }
0x38: {  	s10 =	sld [smem:$0x3FB8]  }
0x39: {  	_ = 	snop;
	(pc) =	sbr.ind lr, $3  }
0x3a: {  	_ = 	snop  }
0x3b: {  	_ = 	snop  }
0x3c: {  	p2 =	seq.s32 s10, $0x1;
	s10 =	sld [smem:$0x3FB7]  }
0x3d: {  	_ =	shalt  }
0x3e: {  	_ =	shalt  }
0x3f: {  	_ =	shalt  }
0x40: {  	_ =	shalt  }
0x41: {  	_ =	shalt  }
0x42: {  	_ =	shalt  }
0x43: {  	_ =	shalt  }
0x44: {  	_ =	shalt  }
0x45: {  	_ =	shalt  }
0x46: {  	_ =	shalt  }
0x47: {  	_ =	shalt  }
0x48: {  	_ =	shalt  }
0x49: {  	_ =	shalt  }
0x4a: {  	_ =	shalt  }
0x4b: {  	_ =	shalt  }
0x4c: {  	_ =	shalt  }
0x4d: {  	_ =	shalt  }
0x4e: {  	_ =	shalt  }
0x4f: {  	_ =	shalt  }
0x50: {  	_ =	shalt  }
0x51: {  	_ =	shalt  }
0x52: {  	_ =	shalt  }
0x53: {  	_ =	shalt  }
0x54: {  	_ =	shalt  }
0x55: {  	_ =	shalt  }
0x56: {  	_ =	shalt  }
0x57: {  	_ =	shalt  }
0x58: {  	_ =	shalt  }
0x59: {  	_ =	shalt  }
0x5a: {  	_ =	shalt  }
0x5b: {  	_ =	shalt  }
0x5c: {  	_ =	shalt  }
0x5d: {  	_ =	shalt  }
0x5e: {  	_ =	shalt  }
0x5f: {  	_ =	shalt  }
0x60: {  	_ =	shalt  }
0x61: {  	_ =	shalt  }
0x62: {  	_ =	shalt  }
0x63: {  	_ =	shalt  }
0x64: {  	_ =	shalt  }
0x65: {  	_ =	shalt  }
0x66: {  	_ =	shalt  }
0x67: {  	_ =	shalt  }
0x68: {  	_ =	shalt  }
0x69: {  	_ =	shalt  }
0x6a: {  	_ =	shalt  }
0x6b: {  	_ =	shalt  }
0x6c: {  	_ =	shalt  }
0x6d: {  	_ =	shalt  }
0x6e: {  	_ =	shalt  }
0x6f: {  	_ =	shalt  }
0x70: {  	_ =	shalt  }
0x71: {  	_ =	shalt  }
0x72: {  	_ =	shalt  }
0x73: {  	_ =	shalt  }
0x74: {  	_ =	shalt  }
0x75: {  	_ =	shalt  }
0x76: {  	_ =	shalt  }
0x77: {  	_ =	shalt  }
0x78: {  	_ =	shalt  }
0x79: {  	_ =	shalt  }
0x7a: {  	_ =	shalt  }
0x7b: {  	_ =	shalt  }
0x7c: {  	_ =	shalt  }
0x7d: {  	_ =	shalt  }
0x7e: {  	_ =	shalt  }
0x7f: {  	_ =	shalt  }
0x80: {  	_ =	shalt  }
0x81: {  	_ =	shalt  }
0x82: {  	_ =	shalt  }
0x83: {  	_ =	shalt  }
0x84: {  	_ =	shalt  }
0x85: {  	_ =	shalt  }
0x86: {  	_ =	shalt  }
0x87: {  	_ =	shalt  }
.Lfunc_end0:
.L_simem_size_0:
called_computation_lowered:
.L_overlay_start_0:
0x88: {  	s2 =	sld [smem:$0x3FD9]  }
0x89: {  	s3 =	sld [smem:$0x3FFE];
	_ =	sdelay $0x1  }
0x8a: {  	s1 =	srdreg.scid  }
0x8b: {  	s0 =	sand.u32 $0x1, s1  }
0x8c: {  	s17 =	sshll.u32 s0, $0xA;
	s2 =	sadd.s32 s3, s2  }
0x8d: {  	s2 =	sadd.s32 s2, s17  }
0x8e: {  	[smem:$0x3FC3] =	sst s2  }
0x8f: {  	_ = 	snop  }
0x90: {  	s2 =	sld [smem:$0x3FD0];
	(tm) =	ssettm $0x1  }
0x91: {  	s18 =	sld [smem:$0x3FFB];
	_ =	sdelay $0x3  }
0x92: {  	_ =	strace s18  }
0x93: {  	s3 =	sld [smem:$0x3FFC];
	_ =	sdelay $0x3  }
0x94: {  	_ =	strace s3  }
0x95: {  	s3 =	sld [smem:$0x3FFD];
	_ =	sdelay $0x3  }
0x96: {  	_ =	strace s3  }
0x97: {  	_ =	strace $0x8FFFFFFF  }
0x98: {  	s19 =	sld [smem:$0x3FDB];
	_ =	sdelay $0x1  }
0x99: {  	s4 =	simm.s32 $_scs_section_size  }
0x9a: {  	s5 =	simm.s32 $_size__tile_overlayer_lowered;
	s6 =	simm.s32 $_tile_overlayer_lowered  }
0x9b: {  	s22 =	simm.s32 $0x1BFF;
	s21 =	sshll.u32 s6, $0x1;
	s3 =	sadd.s32 s4, s19  }
0x9c: {  	s7 =	simm.s32 $0x0;
	s20 =	sshll.u32 s5, $0x1;
	s5 =	sadd.s32 s21, s3  }
0x9d: {  	[timem:s7], [sflag:s22] =	dma.local [hbm:s5], s20  }
0x9e: {  	_ =	swait.ge [sflag:s22], s20  }
0x9f: {  	s4 =	ssub.s32 $0x0, s20;
	[sflag:s22] =	ssyncset.done $0x0  }
0xa0: {  	[sflag:s22] =	ssyncadd.s32 s4;
	_ =	sdelay $0x1  }
0xa1: {  	s23 =	simm.s32 $0x1B8B  }
0xa2: {  	_ =	swait.ge [sflag:s23], $0x1  }
0xa3: {  	[sflag:s23] =	ssyncset.done $0x0  }
0xa4: {  	s25 =	simm.s32 $0x1B8E;
	s24 =	sld [smem:$0x3FFE];
	[sflag:s23] =	ssyncadd.s32 $0xFFFFFFFF  }
0xa5: {  	s26 =	simm.s32 $execute0_lowered;
	[smem:$0x3FD2] =	sst s25  }
0xa6: {  	s5 =	sshll.u32 s26, $0x1;
	_ =	strace $0x80000046;
	[dreg:$0x1] =	wrdreg $0xFFFFFFFF  }
0xa7: {  	s28 =	simm.s32 $_size_execute0_lowered;
	s3 =	sadd.s32 s3, s5;
	[dreg:$0x0] =	wrdreg $0x0  }
0xa8: {  	s5 =	sshll.u32 s28, $0x1;
	[dreg:$0x2] =	wrdreg s3  }
0xa9: {  	[dreg:$0x3] =	wrdreg s5  }
0xaa: {  	[dreg:$0x4] =	wrdreg $0xC0  }
0xab: {  	_ =	task [dreg:s7], $0x5FFFF  }
0xac: {  	[dreg:$0x1] =	wrdreg $0xFFFFFFFF  }
0xad: {  	[dreg:$0x0] =	wrdreg $0x60  }
0xae: {  	[dreg:$0x2] =	wrdreg s24  }
0xaf: {  	[dreg:$0x3] =	wrdreg s2  }
0xb0: {  	[dreg:$0x4] =	wrdreg $0x9  }
0xb1: {  	_ =	task.clear_ibuf [dreg:s7], $0x5FFFF;
	_ =	strace $0x90000046  }
0xb2: {  	s29 =	simm.s32 $0x9;
	_ =	strace $0x80000048  }
0xb3: {  	_ =	swait.ge [sflag:s29], $0x1  }
0xb4: {  	[sflag:s29] =	ssyncadd.s32 $0xFFFFFFFF  }
0xb5: {  	_ =	strace $0x90000048  }
0xb6: {  	_ =	sfence  }
0xb7: {  	s30 =	sld [smem:$0x0];
	_ =	sdelay $0x2  }
0xb8: {  	s31 =	sshll.u32 s1, $0xD;
	s1 =	sshrl.u32 s1, $0x2  }
0xb9: {  	s3 =	sand.u32 $0x4000, s31;
	s1 =	sadd.s32 s1, s30  }
0xba: {  	s0 =	sor.u32 s3, s0;
	s1 =	sshll.u32 s1, $0x11  }
0xbb: {  	s0 =	sor.u32 s1, s0  }
0xbc: {  	s0 =	sadd.s32 $0x8F2B, s0  }
0xbd: {  	[sflag:s0] =	ssyncadd.remote.s32 $0x1  }
0xbe: {  	_ =	sfence.sel $0xFFFF  }
0xbf: {  	[dreg:$0x0] =	wrdreg $0xFFFFFFFF;
	(pc) =	sbr.abs _section_cstart, $3  }
0xc0: {  	[dreg:$0x1] =	wrdreg $0xFFFFFFFF  }
0xc1: {  	_ =	task.clear_ibuf [dreg:s7], $0x2FFFF;
	_ =	strace $0x9FFFFFFF  }
0xc2: {  	(tm) =	ssettm $0x7FFFFFFF  }
0xc3: {  	_ =	shalt  }
tec
execute0_lowered:
.L_overlay_start_1:
0x0: {  	(tag) =	ssettag $0x1  }
0x1: {  	s0 =	rddreg [dreg:$0x0]  }
0x2: {  	s1 =	rddreg [dreg:$0x1]  }
0x3: {  	s3 =	srdreg.scid;
	s2 =	stileid.u32;
	s5 =	simm.s32 $0x0  }
0x4: {  	s4 =	sand.u32 $0x1, s3;
	s26 =	sshll.u32 s2, $0x1;
	[smem:$0x7FF] =	sst s5  }
0x5: {  	s6 =	sshll.u32 s2, $0x7;
	s28 =	sor.u32 s4, s26;
	s4 =	ssub.s32 $0x2, s4  }
0x6: {  	s3 =	sadd.s32 $0x1600, s0;
	s7 =	sshll.u32 s28, $0x4;
	s29 =	sshrl.u32 s4, $0x1  }
0x7: {  	_ =	strace $0x80000047;
	s6 =	sor.u32 s6, s7;
	s4 =	ssub.s32 s4, s29  }
0x8: {  	s5 =	sshll.u32 s28, $0xD;
	s6 =	sand.u32 $0x670, s6;
	s31 =	smax.u32 s4, $0x1  }
0x9: {  	s8 =	sadd.s32 s6, s0;
	s1 =	sadd.s32 s1, s6;
	[dreg:$0xc] =	wrdreg s31  }
0xa: {  	s0 =	sadd.s32 s5, s0;
	[dreg:$0x9] =	wrdreg s1;
	s30 =	sadd.s32 $0xE00, s8  }
0xb: {  	s5 =	simm.s32 $0x400;
	s0 =	sadd.s32 $0xF43A00, s0;
	[dreg:$0xa] =	wrdreg s30  }
0xc: {  	s6 =	simm.s32 $0x2;
	s1 =	simm.s32 $0x0;
	[dreg:$0xb] =	wrdreg s0  }
.LBB2_1:
0xd: {  	[dreg:$0xd] =	wrdreg s1  }
0xe: {  	s10 =	simm.s32 $0x0;
	s0 =	rddreg [dreg:$0x9];
	s4 =	simm.s32 $0x80  }
0xf: {  	[tilespmem:s10], [sflag:$0x2] =	stream.strided.gather [hbm4b:s0+s4], $0x200, s5, s4, $0x38;
	[tilespmem:$0x10400] =	vst v63  }
0x10: {  	_ =	swait.ge [sflag:s6], $0x200  }
0x11: {  	[sflag:s6] =	ssyncset.done $0x0  }
0x12: {  	s11 =	simm.s32 $0x200;
	s2 =	rddreg [dreg:$0xa];
	[sflag:s6] =	ssyncadd.s32 $0xFFFFFE00  }
0x13: {  	[tilespmem:s11], [sflag:$0x2] =	stream.strided.gather [hbm4b:s2+s4], $0x200, s5, s4, $0x38;
	[tilespmem:$0x10400] =	vst v63  }
0x14: {  	_ =	swait.ge [sflag:s6], $0x200  }
0x15: {  	[sflag:s6] =	ssyncset.done $0x0  }
0x16: {  	[sflag:s6] =	ssyncadd.s32 $0xFFFFFE00  }
0x17: {  	v0 =	vld [tilespmem:s11+$0x0]  }
0x18: {  	v1 =	vld [tilespmem:s10+$0x0];
	_ =	sdelay $0x3  }
0x19: {  	v0 =	vshll.u32 v0, $0x7  }
0x1a: {  	v1 =	vshll.u32 v1, $0xA;
	(v2sf) =	vpush v0, $0x9  }
0x1b: {  	(v2sf) =	vpush v1, $0xF  }
0x1c: {  	(v2sf) =	vpush v1, $0xE  }
0x1d: {  	(v2sf) =	vpush v0, $0xE  }
0x1e: {  	(v2sf) =	vpush v0, $0xB  }
0x1f: {  	(v2sf) =	vpush v1, $0xB  }
0x20: {  	(v2sf) =	vpush v1, $0x9  }
0x21: {  	(v2sf) =	vpush v0, $0xA  }
0x22: {  	(v2sf) =	vpush v1, $0xA  }
0x23: {  	(v2sf) =	vpush v1, $0x8  }
0x24: {  	(v2sf) =	vpush v0, $0x8  }
0x25: {  	(v2sf) =	vpush v0, $0x7  }
0x26: {  	(v2sf) =	vpush v1, $0x7  }
0x27: {  	(v2sf) =	vpush v1, $0x6  }
0x28: {  	(v2sf) =	vpush v1, $0x5  }
0x29: {  	(v2sf) =	vpush v0, $0x6;
	s12 =	spop (v2sf)  }
0x2a: {  	(v2sf) =	vpush v0, $0x3;
	s13 =	spop (v2sf)  }
0x2b: {  	(v2sf) =	vpush v0, $0x4;
	s24 =	spop (v2sf)  }
0x2c: {  	(v2sf) =	vpush v0, $0x5;
	s25 =	spop (v2sf)  }
0x2d: {  	(v2sf) =	vpush v0, $0x2;
	s26 =	spop (v2sf)  }
0x2e: {  	(v2sf) =	vpush v1, $0x3;
	s7 =	spop (v2sf)  }
0x2f: {  	(v2sf) =	vpush v0, $0x1;
	s8 =	spop (v2sf)  }
0x30: {  	(v2sf) =	vpush v1, $0x4;
	s0 =	spop (v2sf)  }
0x31: {  	s15 =	simm.s32 $0x2000;
	s16 =	simm.s32 $0x210;
	(v2sf) =	vpush v0, $0x0;
	s9 =	spop (v2sf)  }
0x32: {  	s14 =	simm.s32 $0x0;
	s17 =	simm.s32 $0x10;
	(v2sf) =	vpush v1, $0x2;
	s11 =	spop (v2sf)  }
0x33: {  	s1 =	sand.u32 $0x380, s12;
	s18 =	sand.u32 $0xFFFFFC00, s25;
	(v2sf) =	vpush v1, $0x0;
	s19 =	spop (v2sf)  }
0x34: {  	s5 =	sand.u32 $0x380, s25;
	s21 =	sand.u32 $0xFFFFFC00, s26;
	(v2sf) =	vpush v1, $0x1;
	s20 =	spop (v2sf)  }
0x35: {  	s6 =	sand.u32 $0x380, s26;
	s4 =	sadd.s32 s24, s18;
	s23 =	spop (v2sf)  }
0x36: {  	s24 =	sand.u32 $0xFFFFFC00, s12;
	s18 =	sor.u32 s5, s4;
	s22 =	spop (v2sf)  }
0x37: {  	s7 =	sadd.s32 s7, s21;
	s2 =	sadd.s32 s8, s24;
	s25 =	spop (v2sf)  }
0x38: {  	s12 =	sand.u32 $0xFFFFFC00, s0;
	s2 =	sor.u32 s1, s2;
	s5 =	spop (v2sf)  }
0x39: {  	s0 =	sand.u32 $0x380, s0;
	s9 =	sadd.s32 s9, s12;
	s24 =	spop (v2sf)  }
0x3a: {  	s10 =	sand.u32 $0xFFFFFC00, s19;
	s19 =	sand.u32 $0x380, s19;
	s26 =	spop (v2sf)  }
0x3b: {  	s8 =	sadd.s32 s11, s10;
	s10 =	sand.u32 $0xFFFFFC00, s20;
	s1 =	spop (v2sf)  }
0x3c: {  	s20 =	sand.u32 $0x380, s20;
	s8 =	sor.u32 s19, s8;
	s21 =	spop (v2sf)  }
0x3d: {  	s11 =	sadd.s32 s23, s10;
	s19 =	simm.s32 $0x680;
	s28 =	spop (v2sf)  }
0x3e: {  	s11 =	sor.u32 s20, s11;
	s4 =	sand.u32 $0x380, s24;
	s23 =	spop (v2sf)  }
0x3f: {  	s24 =	sand.u32 $0xFFFFFC00, s24;
	s29 =	sand.u32 $0xFFFFFC00, s21;
	s30 =	spop (v2sf)  }
0x40: {  	s21 =	sand.u32 $0x380, s21;
	s28 =	sadd.s32 s28, s24;
	s31 =	spop (v2sf)  }
0x41: {  	s24 =	sor.u32 s6, s7;
	s10 =	sor.u32 s4, s28;
	s12 =	spop (v2sf)  }
0x42: {  	s20 =	sand.u32 $0xFFFFFC00, s31;
	s6 =	sadd.s32 s12, s29;
	s12 =	spop (v2sf)  }
0x43: {  	s4 =	sand.u32 $0xFFFFFC00, s23;
	s7 =	sadd.s32 s12, s20;
	s12 =	spop (v2sf)  }
0x44: {  	s29 =	sand.u32 $0x380, s26;
	s20 =	simm.s32 $0x600;
	s28 =	sadd.s32 s12, s4  }
0x45: {  	s12 =	sor.u32 s21, s6;
	s4 =	sand.u32 $0x380, s31;
	s21 =	sand.u32 $0x380, s23  }
0x46: {  	s23 =	sand.u32 $0xFFFFFC00, s1;
	s1 =	sand.u32 $0x380, s1;
	s6 =	sor.u32 s4, s7  }
0x47: {  	s7 =	sor.u32 s21, s28;
	s4 =	sand.u32 $0xFFFFFC00, s26;
	s28 =	sadd.s32 s25, s23  }
0x48: {  	s21 =	simm.s32 $0x580;
	s25 =	simm.s32 $0x500;
	s26 =	simm.s32 $0x480  }
0x49: {  	s23 =	sadd.s32 s30, s4;
	s31 =	sor.u32 s1, s28;
	s28 =	simm.s32 $0x400  }
0x4a: {  	(v2sf) =	vpush v1, $0xC;
	s30 =	sand.u32 $0x380, s5;
	s1 =	sshrl.u32 s11, $0x3;
	s11 =	sshrl.u32 s12, $0x3  }
0x4b: {  	(v2sf) =	vpush v1, $0xD;
	s4 =	sor.u32 s29, s23;
	s23 =	sshrl.u32 s8, $0x3;
	s29 =	sor.u32 s0, s9  }
0x4c: {  	(v2sf) =	vpush v0, $0xD;
	s0 =	sand.u32 $0xFFFFFC00, s5;
	s5 =	sshrl.u32 s10, $0x3;
	s9 =	sshrl.u32 s7, $0x3  }
0x4d: {  	(v2sf) =	vpush v0, $0xC;
	s8 =	sshrl.u32 s31, $0x3;
	s31 =	sshrl.u32 s2, $0x3;
	s7 =	sshrl.u32 s4, $0x3  }
.LBB2_2:
0x4e: {  	s4 =	sshrl.u32 s6, $0x3  }
0x4f: {  	s2 =	simm.s32 $0x0;
	s4 =	sadd.s32 s3, s4  }
0x50: {  	[tilespmem:s28], [sflag:$0x1] =	stream.linear.gather [hbm4b:s4+s2], $0x80, $0x38;
	[tilespmem:$0x10400] =	vst v63  }
0x51: {  	s12 =	sadd.s32 s3, s9  }
0x52: {  	[tilespmem:s26], [sflag:$0x1] =	stream.linear.gather [hbm4b:s12+s2], $0x80, $0x38;
	[tilespmem:$0x10400] =	vst v63  }
0x53: {  	s0 =	sadd.s32 s22, s0;
	s22 =	sadd.s32 s3, s11  }
0x54: {  	[tilespmem:s25], [sflag:$0x1] =	stream.linear.gather [hbm4b:s22+s2], $0x80, $0x38;
	[tilespmem:$0x10400] =	vst v63  }
0x55: {  	s22 =	sadd.s32 s3, s5  }
0x56: {  	[tilespmem:s21], [sflag:$0x1] =	stream.linear.gather [hbm4b:s22+s2], $0x80, $0x38;
	[tilespmem:$0x10400] =	vst v63  }
0x57: {  	s7 =	sadd.s32 s3, s7  }
0x58: {  	[tilespmem:s20], [sflag:$0x1] =	stream.linear.gather [hbm4b:s7+s2], $0x80, $0x38;
	[tilespmem:$0x10400] =	vst v63  }
0x59: {  	s1 =	sadd.s32 s3, s1;
	s0 =	sor.u32 s30, s0;
	s6 =	spop (v2sf)  }
0x5a: {  	s0 =	sshrl.u32 s0, $0x3;
	s20 =	sadd.s32 s3, s8;
	s10 =	spop (v2sf)  }
0x5b: {  	[tilespmem:s19], [sflag:$0x1] =	stream.linear.gather [hbm4b:s20+s2], $0x80, $0x38;
	[tilespmem:$0x10400] =	vst v63  }
0x5c: {  	s0 =	sadd.s32 s3, s0;
	s21 =	sadd.s32 $0x700, s14;
	s9 =	spop (v2sf)  }
0x5d: {  	s22 =	sadd.s32 $0x780, s14;
	(v2sf) =	vpush v0, $0xF;
	s19 =	sadd.s32 s3, s31;
	s26 =	spop (v2sf)  }
0x5e: {  	[tilespmem:s21], [sflag:$0x1] =	stream.linear.gather [hbm4b:s0+s2], $0x80, $0x38;
	[tilespmem:$0x10400] =	vst v63  }
0x5f: {  	s12 =	sand.u32 $0x380, s26;
	s25 =	sand.u32 $0xFFFFFC00, s26;
	s26 =	sand.u32 $0xFFFFFC00, s9  }
0x60: {  	s11 =	sand.u32 $0x380, s9;
	s6 =	sadd.s32 s6, s25;
	s10 =	sadd.s32 s10, s26  }
0x61: {  	[tilespmem:s22], [sflag:$0x1] =	stream.linear.gather [hbm4b:s1+s2], $0x80, $0x38;
	[tilespmem:$0x10400] =	vst v63  }
0x62: {  	s5 =	sor.u32 s11, s10;
	s10 =	sadd.s32 $0x800, s14;
	s11 =	sadd.s32 s3, s23  }
0x63: {  	[tilespmem:s10], [sflag:$0x1] =	stream.linear.gather [hbm4b:s11+s2], $0x80, $0x38;
	[tilespmem:$0x10400] =	vst v63  }
0x64: {  	s20 =	sshrl.u32 s29, $0x3;
	s4 =	sor.u32 s12, s6;
	s12 =	sadd.s32 $0x880, s14  }
0x65: {  	[tilespmem:s12], [sflag:$0x1] =	stream.linear.gather [hbm4b:s19+s2], $0x80, $0x38;
	[tilespmem:$0x10400] =	vst v63  }
0x66: {  	s21 =	sadd.s32 $0x900, s14;
	s25 =	sshrl.u32 s24, $0x3;
	s22 =	sadd.s32 s3, s20  }
0x67: {  	[tilespmem:s21], [sflag:$0x1] =	stream.linear.gather [hbm4b:s22+s2], $0x80, $0x38;
	[tilespmem:$0x10400] =	vst v63  }
0x68: {  	s24 =	sadd.s32 $0x980, s14;
	s25 =	sadd.s32 s3, s25;
	s4 =	sshrl.u32 s4, $0x3  }
0x69: {  	[tilespmem:s24], [sflag:$0x1] =	stream.linear.gather [hbm4b:s25+s2], $0x80, $0x38;
	[tilespmem:$0x10400] =	vst v63  }
0x6a: {  	s1 =	sadd.s32 $0xA00, s14;
	s4 =	sadd.s32 s3, s4  }
0x6b: {  	[tilespmem:s1], [sflag:$0x1] =	stream.linear.gather [hbm4b:s4+s2], $0x80, $0x38;
	[tilespmem:$0x10400] =	vst v63  }
0x6c: {  	s5 =	sshrl.u32 s5, $0x3;
	s10 =	sadd.s32 $0xA80, s14;
	s26 =	spop (v2sf)  }
0x6d: {  	s11 =	sadd.s32 s3, s5;
	s8 =	sand.u32 $0x380, s26;
	s26 =	sand.u32 $0xFFFFFC00, s26  }
0x6e: {  	[tilespmem:s10], [sflag:$0x1] =	stream.linear.gather [hbm4b:s11+s2], $0x80, $0x38;
	[tilespmem:$0x10400] =	vst v63  }
0x6f: {  	s23 =	sshrl.u32 s18, $0x3;
	s7 =	sadd.s32 s13, s26  }
0x70: {  	s12 =	sadd.s32 $0xB00, s14;
	s13 =	sadd.s32 s3, s23;
	s4 =	sor.u32 s8, s7  }
0x71: {  	[tilespmem:s12], [sflag:$0x1] =	stream.linear.gather [hbm4b:s13+s2], $0x80, $0x38;
	[tilespmem:$0x10400] =	vst v63  }
0x72: {  	s4 =	sshrl.u32 s4, $0x3  }
0x73: {  	s14 =	sadd.s32 $0xB80, s14;
	s18 =	sadd.s32 s3, s4  }
0x74: {  	[tilespmem:s14], [sflag:$0x1] =	stream.linear.gather [hbm4b:s18+s2], $0x80, $0x38;
	[tilespmem:$0x10400] =	vst v63  }
0x75: {  	v0 =	vld [tilespmem:s16+$0x0]  }
0x76: {  	v1 =	vld [tilespmem:s17+$0x0];
	_ =	sdelay $0x3  }
0x77: {  	v0 =	vshll.u32 v0, $0x7  }
0x78: {  	v1 =	vshll.u32 v1, $0xA;
	(v2sf) =	vpush v0, $0x9  }
0x79: {  	(v2sf) =	vpush v1, $0xF  }
0x7a: {  	(v2sf) =	vpush v1, $0xE  }
0x7b: {  	(v2sf) =	vpush v0, $0xE  }
0x7c: {  	(v2sf) =	vpush v0, $0xB  }
0x7d: {  	(v2sf) =	vpush v1, $0xB  }
0x7e: {  	(v2sf) =	vpush v1, $0x9  }
0x7f: {  	(v2sf) =	vpush v0, $0xA  }
0x80: {  	(v2sf) =	vpush v1, $0xA  }
0x81: {  	(v2sf) =	vpush v1, $0x8  }
0x82: {  	(v2sf) =	vpush v0, $0x8  }
0x83: {  	(v2sf) =	vpush v0, $0x7  }
0x84: {  	(v2sf) =	vpush v1, $0x7  }
0x85: {  	p0 =	sne.s32 s15, $0x3E000;
	s19 =	smov.u32 s15;
	s15 =	sadd.s32 $0x2000, s15;
	(v2sf) =	vpush v1, $0x6  }
0x86: {  	s21 =	sadd.s32 $0x10, s16;
	s14 =	sshra.s32 s19, $0x2;
	s17 =	sadd.s32 $0x10, s17;
	(v2sf) =	vpush v1, $0x5  }
0x87: {  	s25 =	sadd.s32 $0x680, s14;
	s8 =	sadd.s32 $0x600, s14;
	(v2sf) =	vpush v0, $0x6;
	s20 =	spop (v2sf)  }
0x88: {  	s13 =	sadd.s32 $0x580, s14;
	[dreg:$0x6] =	wrdreg s25;
	(v2sf) =	vpush v0, $0x3;
	s22 =	spop (v2sf)  }
0x89: {  	s11 =	sadd.s32 $0x500, s14;
	[dreg:$0x4] =	wrdreg s8;
	(v2sf) =	vpush v0, $0x4;
	s23 =	spop (v2sf)  }
0x8a: {  	s28 =	sadd.s32 $0x400, s14;
	[dreg:$0x5] =	wrdreg s13;
	(v2sf) =	vpush v0, $0x5;
	s24 =	spop (v2sf)  }
0x8b: {  	[dreg:$0x8] =	wrdreg s11;
	s18 =	sand.u32 $0xFFFFFC00, s20;
	(v2sf) =	vpush v0, $0x2;
	s7 =	spop (v2sf)  }
0x8c: {  	s1 =	sand.u32 $0x380, s20;
	[dreg:$0x3] =	wrdreg s22;
	(v2sf) =	vpush v1, $0x3;
	s9 =	spop (v2sf)  }
0x8d: {  	s26 =	sand.u32 $0xFFFFFC00, s24;
	s0 =	sand.u32 $0x380, s24;
	s25 =	spop (v2sf)  }
0x8e: {  	s16 =	sand.u32 $0xFFFFFC00, s7;
	s22 =	sand.u32 $0x380, s7;
	(v2sf) =	vpush v0, $0x1;
	s6 =	spop (v2sf)  }
0x8f: {  	s4 =	sadd.s32 s23, s26;
	s26 =	sadd.s32 $0x480, s14;
	s13 =	spop (v2sf)  }
0x90: {  	s29 =	sor.u32 s0, s4;
	(v2sf) =	vpush v1, $0x4;
	s23 =	sadd.s32 s25, s18;
	s19 =	spop (v2sf)  }
0x91: {  	s12 =	sand.u32 $0x380, s6;
	(v2sf) =	vpush v0, $0x0;
	s5 =	sand.u32 $0xFFFFFC00, s6;
	s20 =	spop (v2sf)  }
0x92: {  	s31 =	sor.u32 s1, s23;
	s1 =	sadd.s32 s9, s16;
	(v2sf) =	vpush v1, $0x2;
	s24 =	spop (v2sf)  }
0x93: {  	[dreg:$0x7] =	wrdreg s12;
	(v2sf) =	vpush v1, $0x0;
	s25 =	sand.u32 $0xFFFFFC00, s20;
	s2 =	spop (v2sf)  }
0x94: {  	(v2sf) =	vpush v1, $0x1;
	s0 =	sand.u32 $0x380, s20;
	s8 =	sadd.s32 s19, s25;
	s25 =	spop (v2sf)  }
0x95: {  	s4 =	sadd.s32 s13, s5;
	s0 =	sor.u32 s0, s8;
	s8 =	spop (v2sf)  }
0x96: {  	s31 =	sshrl.u32 s31, $0x3;
	s20 =	sand.u32 $0xFFFFFC00, s24;
	s16 =	spop (v2sf)  }
0x97: {  	s10 =	sand.u32 $0x380, s24;
	s6 =	sadd.s32 s2, s20;
	s18 =	spop (v2sf)  }
0x98: {  	s23 =	sshrl.u32 s0, $0x3;
	s6 =	sor.u32 s10, s6;
	s19 =	spop (v2sf)  }
0x99: {  	s0 =	sand.u32 $0xFFFFFC00, s16;
	s30 =	sand.u32 $0x380, s16;
	s13 =	spop (v2sf)  }
0x9a: {  	s9 =	sand.u32 $0x380, s18;
	s7 =	sand.u32 $0xFFFFFC00, s18;
	s12 =	spop (v2sf)  }
0x9b: {  	s11 =	sand.u32 $0x380, s19;
	s16 =	sand.u32 $0x380, s13;
	s24 =	spop (v2sf)  }
0x9c: {  	s18 =	sand.u32 $0xFFFFFC00, s12;
	s12 =	sand.u32 $0x380, s12;
	s2 =	sadd.s32 s24, s7  }
0x9d: {  	s7 =	sand.u32 $0xFFFFFC00, s19;
	s5 =	spop (v2sf);
	s24 =	sor.u32 s22, s1  }
0x9e: {  	s1 =	sshrl.u32 s6, $0x3;
	s22 =	smov.u32 s15;
	s15 =	smov.u32 s17  }
0x9f: {  	s19 =	sand.u32 $0xFFFFFC00, s5;
	s20 =	spop (v2sf);
	s2 =	sor.u32 s9, s2  }
0xa0: {  	s5 =	sand.u32 $0x380, s5;
	s10 =	spop (v2sf);
	s7 =	sadd.s32 s20, s7  }
0xa1: {  	s20 =	rddreg [dreg:$0x4];
	s6 =	spop (v2sf);
	s17 =	sand.u32 $0xFFFFFC00, s10  }
0xa2: {  	s7 =	sor.u32 s11, s7;
	s6 =	sadd.s32 s6, s18;
	s18 =	spop (v2sf)  }
0xa3: {  	s10 =	sand.u32 $0x380, s10;
	s7 =	sshrl.u32 s7, $0x3;
	s9 =	spop (v2sf)  }
0xa4: {  	s17 =	sadd.s32 s18, s17;
	s12 =	sor.u32 s12, s6;
	s9 =	sadd.s32 s9, s19  }
0xa5: {  	s19 =	rddreg [dreg:$0x6];
	s6 =	sor.u32 s10, s17;
	s17 =	smov.u32 s15  }
0xa6: {  	s15 =	smov.u32 s22;
	s22 =	smov.u32 s25;
	s25 =	rddreg [dreg:$0x8]  }
.Ltmp0:
0xa7: {  	s10 =	sand.u32 $0xFFFFFC00, s13;
	s13 =	rddreg [dreg:$0x3];
	(pc) =	sbr.rel @p0 .LBB2_2-.Ltmp0, $4  }
0xa8: {  	(v2sf) =	vpush v1, $0xC;
	s18 =	smov.u32 s29;
	s11 =	sshrl.u32 s12, $0x3;
	s12 =	rddreg [dreg:$0x7]  }
0xa9: {  	(v2sf) =	vpush v1, $0xD;
	s9 =	sor.u32 s5, s9;
	s5 =	sshrl.u32 s2, $0x3;
	s10 =	sadd.s32 s8, s10  }
0xaa: {  	(v2sf) =	vpush v0, $0xD;
	s29 =	sor.u32 s12, s4;
	s9 =	sshrl.u32 s9, $0x3;
	s2 =	sor.u32 s16, s10  }
0xab: {  	(v2sf) =	vpush v0, $0xC;
	s16 =	smov.u32 s21;
	s21 =	rddreg [dreg:$0x5];
	s8 =	sshrl.u32 s2, $0x3  }
0xac: {  	s2 =	sshrl.u32 s6, $0x3  }
0xad: {  	s6 =	simm.s32 $0x0;
	s2 =	sadd.s32 s3, s2  }
0xae: {  	[tilespmem:s28], [sflag:$0x1] =	stream.linear.gather [hbm4b:s2+s6], $0x80, $0x38;
	[tilespmem:$0x10400] =	vst v63  }
0xaf: {  	s12 =	sadd.s32 s3, s9  }
0xb0: {  	[tilespmem:s26], [sflag:$0x1] =	stream.linear.gather [hbm4b:s12+s6], $0x80, $0x38;
	[tilespmem:$0x10400] =	vst v63  }
0xb1: {  	s15 =	sadd.s32 s3, s11  }
0xb2: {  	[tilespmem:s25], [sflag:$0x1] =	stream.linear.gather [hbm4b:s15+s6], $0x80, $0x38;
	[tilespmem:$0x10400] =	vst v63  }
0xb3: {  	s16 =	sadd.s32 s3, s5;
	s0 =	sadd.s32 s22, s0  }
0xb4: {  	[tilespmem:s21], [sflag:$0x1] =	stream.linear.gather [hbm4b:s16+s6], $0x80, $0x38;
	[tilespmem:$0x10400] =	vst v63  }
0xb5: {  	s17 =	sadd.s32 s3, s7;
	s0 =	sor.u32 s30, s0  }
0xb6: {  	[tilespmem:s20], [sflag:$0x1] =	stream.linear.gather [hbm4b:s17+s6], $0x80, $0x38;
	[tilespmem:$0x10400] =	vst v63  }
0xb7: {  	s22 =	sadd.s32 s3, s1;
	s0 =	sshrl.u32 s0, $0x3;
	s20 =	sadd.s32 s3, s8  }
0xb8: {  	[tilespmem:s19], [sflag:$0x1] =	stream.linear.gather [hbm4b:s20+s6], $0x80, $0x38;
	[tilespmem:$0x10400] =	vst v63  }
0xb9: {  	s0 =	sadd.s32 s3, s0;
	s21 =	sadd.s32 $0x700, s14;
	s30 =	spop (v2sf)  }
0xba: {  	[tilespmem:s21], [sflag:$0x1] =	stream.linear.gather [hbm4b:s0+s6], $0x80, $0x38;
	[tilespmem:$0x10400] =	vst v63  }
0xbb: {  	s5 =	sadd.s32 $0x880, s14;
	s25 =	sadd.s32 $0x780, s14;
	s8 =	spop (v2sf)  }
0xbc: {  	[tilespmem:s25], [sflag:$0x1] =	stream.linear.gather [hbm4b:s22+s6], $0x80, $0x38;
	[tilespmem:$0x10400] =	vst v63  }
0xbd: {  	s28 =	sadd.s32 s3, s23;
	s26 =	sadd.s32 $0x800, s14;
	s11 =	spop (v2sf)  }
0xbe: {  	(v2sf) =	vpush v0, $0xF;
	[tilespmem:s26], [sflag:$0x1] =	stream.linear.gather [hbm4b:s28+s6], $0x80, $0x38;
	[tilespmem:$0x10400] =	vst v63  }
0xbf: {  	s7 =	sadd.s32 s3, s31;
	s9 =	sshrl.u32 s29, $0x3;
	s4 =	sshrl.u32 s24, $0x3  }
0xc0: {  	[tilespmem:s5], [sflag:$0x1] =	stream.linear.gather [hbm4b:s7+s6], $0x80, $0x38;
	[tilespmem:$0x10400] =	vst v63  }
0xc1: {  	s10 =	sadd.s32 $0x900, s14;
	s2 =	sadd.s32 s3, s9;
	s15 =	spop (v2sf)  }
0xc2: {  	[tilespmem:s10], [sflag:$0x1] =	stream.linear.gather [hbm4b:s2+s6], $0x80, $0x38;
	[tilespmem:$0x10400] =	vst v63  }
0xc3: {  	s4 =	sadd.s32 s3, s4;
	s12 =	sadd.s32 $0x980, s14;
	s16 =	sand.u32 $0xFFFFFC00, s15  }
0xc4: {  	[tilespmem:s12], [sflag:$0x1] =	stream.linear.gather [hbm4b:s4+s6], $0x80, $0x38;
	[tilespmem:$0x10400] =	vst v63  }
0xc5: {  	s0 =	sadd.s32 s30, s16;
	s4 =	sand.u32 $0x380, s15  }
0xc6: {  	s0 =	sor.u32 s4, s0  }
0xc7: {  	s0 =	sshrl.u32 s0, $0x3  }
0xc8: {  	s17 =	sadd.s32 $0xA00, s14;
	s19 =	sand.u32 $0xFFFFFC00, s11;
	s0 =	sadd.s32 s3, s0  }
0xc9: {  	[tilespmem:s17], [sflag:$0x1] =	stream.linear.gather [hbm4b:s0+s6], $0x80, $0x38;
	[tilespmem:$0x10400] =	vst v63  }
0xca: {  	s20 =	sand.u32 $0x380, s11;
	s0 =	sadd.s32 s8, s19  }
0xcb: {  	s0 =	sor.u32 s20, s0  }
0xcc: {  	s21 =	sadd.s32 $0xA80, s14;
	s0 =	sshrl.u32 s0, $0x3  }
0xcd: {  	s22 =	sshrl.u32 s18, $0x3;
	s24 =	spop (v2sf);
	s0 =	sadd.s32 s3, s0  }
0xce: {  	[tilespmem:s21], [sflag:$0x1] =	stream.linear.gather [hbm4b:s0+s6], $0x80, $0x38;
	[tilespmem:$0x10400] =	vst v63  }
0xcf: {  	s23 =	sadd.s32 $0xB00, s14;
	s25 =	sand.u32 $0xFFFFFC00, s24;
	s0 =	sadd.s32 s3, s22  }
0xd0: {  	[tilespmem:s23], [sflag:$0x1] =	stream.linear.gather [hbm4b:s0+s6], $0x80, $0x38;
	[tilespmem:$0x10400] =	vst v63  }
0xd1: {  	s1 =	sadd.s32 s13, s25;
	s0 =	sand.u32 $0x380, s24  }
0xd2: {  	s0 =	sor.u32 s0, s1  }
0xd3: {  	s0 =	sshrl.u32 s0, $0x3  }
0xd4: {  	s26 =	sadd.s32 $0xB80, s14;
	s28 =	simm.s32 $0x1;
	s0 =	sadd.s32 s3, s0  }
0xd5: {  	[tilespmem:s26], [sflag:$0x1] =	stream.linear.gather [hbm4b:s0+s6], $0x80, $0x38;
	[tilespmem:$0x10400] =	vst v63  }
0xd6: {  	_ =	swait.ge [sflag:s28], $0x10000  }
0xd7: {  	[sflag:s28] =	ssyncset.done $0x0  }
0xd8: {  	s5 =	simm.s32 $0x400;
	s29 =	rddreg [dreg:$0xb];
	[sflag:s28] =	ssyncadd.s32 $0xFFFF0000  }
0xd9: {  	[hbm4b:s29+s6] =	stream.linear.scatter [tilespmem:s5], [sflag:$0x2], $0x10000, $0x38;
	[tilespmem:$0x10400] =	vst v63  }
0xda: {  	s6 =	simm.s32 $0x2  }
0xdb: {  	_ =	swait.ge [sflag:s6], $0x10000  }
0xdc: {  	s30 =	rddreg [dreg:$0xd]  }
0xdd: {  	s31 =	rddreg [dreg:$0xc];
	s1 =	sadd.s32 $0x1, s30  }
0xde: {  	p0 =	sne.s32 s1, s31  }
.Ltmp1:
0xdf: {  	_ = 	snop;
	(pc) =	sbr.rel @p0 .LBB2_1-.Ltmp1, $3  }
0xe0: {  	_ =	sdelay $0x1  }
0xe1: {  	[sflag:s6] =	ssyncset.done $0x0  }
0xe2: {  	[sflag:s6] =	ssyncadd.s32 $0xFFFF0000  }
0xe3: {  	_ =	sfence.sel $0x180000  }
0xe4: {  	[bflag:$0x0] =	sbarrier.arrive $0xFFFF  }
0xe5: {  	_ =	strace $0x90000047  }
0xe6: {  	s0 =	stileid.u32;
	[bflag:$0x2] =	sbarrier.arrive $0xFFFF  }
0xe7: {  	p0 =	sne.s32 s0, $0x0;
	s0 =	rddreg [dreg:$0x2]  }
0xe8: {  	s0 =	sadd.s32 @!p0 $0x100000, s0  }
0xe9: {  	[sflag:s0] =	ssyncadd.tile.s32 @!p0 $0x1;
	_ =	shalt  }
.Lfunc_end2:
_tile_overlayer_lowered:
.L_overlay_start_2:
0xea: {  	(tag) =	ssettag $0x2  }
0xeb: {  	s0 =	rddreg [dreg:$0x0];
	s2 =	stileid.u32  }
0xec: {  	s1 =	rddreg [dreg:$0x1];
	p0 =	sne.s32 s2, $0x0  }
0xed: {  	s3 =	rddreg [dreg:$0x2];
	[bflag:$0x3] =	sbarrier.arrive $0xFFFF;
	s2 =	simm.s32 @!p0 $0x1C02  }
0xee: {  	[timem:s3], [sflag:s2] =	dma.local @!p0 [hbm:s0], s1  }
0xef: {  	s0 =	simm.s32 @!p0 $0x2  }
0xf0: {  	_ =	swait.ge @!p0 [sflag:s0], s1  }
0xf1: {  	s1 =	ssub.s32 @!p0 $0x0, s1;
	[sflag:s0] =	ssyncset.done @!p0 $0x0  }
0xf2: {  	[sflag:s0] =	ssyncadd.s32 @!p0 s1  }
0xf3: {  	[bflag:$0x3] =	sbarrier.arrive $0xFFFF  }
0xf4: {  	_ =	shalt  }

</sc_bundles>
